<compile_context>
chip_gen: v7x
topology: tpu7x:2x2x1
jax: 0.10.2.dev20260603
libtpu: 0.0.44.dev20260713+nightly
codegen_flags: <defaults>
</compile_context>

<pallas_src>
import functools

import jax
import jax.numpy as jnp
from jax import lax
from jax.experimental import pallas as pl
from jax.experimental.pallas import tpu as pltpu
from jax.experimental.pallas import tpu_sc as plsc

B, C, H, W = 32, 64, 32, 32
HW = H * W
N = B * HW
V = 8192
RB = 256
QB = HW // RB
BH = B // 2
NH = BH * HW
NBH = NH // RB
BETA = 0.25
RESI = 0.5

NWORK = 32
IDX_ROWS = NH // 128
ROWS_PER_W = IDX_ROWS // NWORK
VSLICE = V // NWORK


def _dist_body(f_ref, emb_ref, en_ref, idx_ref):
    fbt = f_ref[0].T
    m = lax.dot_general(fbt, emb_ref[...], (((1,), (1,)), ((), ())),
                        preferred_element_type=jnp.float32)
    xn = jnp.sum(fbt * fbt, axis=1, keepdims=True)
    d = (xn + en_ref[...]) - 2.0 * m
    mn = jnp.min(d, axis=1, keepdims=True)
    vids = lax.broadcasted_iota(jnp.int32, (RB, V), 1)
    idx = jnp.min(jnp.where(d == mn, vids, V), axis=1).astype(jnp.int32)
    idx_ref[...] = idx.reshape(1, 1, RB)


def _make_dist(b_ofs):
    return pl.pallas_call(
        _dist_body,
        grid=(BH, QB),
        in_specs=[
            pl.BlockSpec((1, C, RB), lambda b, q: (b + b_ofs, 0, q)),
            pl.BlockSpec((V, C), lambda b, q: (0, 0)),
            pl.BlockSpec((1, V), lambda b, q: (0, 0)),
        ],
        out_specs=pl.BlockSpec((1, 1, RB), lambda b, q: (b * QB + q, 0, 0)),
        out_shape=jax.ShapeDtypeStruct((NBH, 1, RB), jnp.int32),
    )


_dist0 = _make_dist(0)
_dist1 = _make_dist(BH)


def _sc_body(idx_hbm, emb_hbm, h_out, hit_out, idx_all, idxb, rows, hist, sem):
    wid = lax.axis_index("s") * 2 + lax.axis_index("c")
    base = wid * ROWS_PER_W

    pltpu.sync_copy(idx_hbm, idx_all)
    pltpu.sync_copy(idx_hbm.at[pl.ds(base, ROWS_PER_W)], idxb)

    lo = wid * VSLICE
    zeros16 = jnp.zeros((16,), jnp.float32)
    ones16 = jnp.ones((16,), jnp.float32)
    for k in range(VSLICE // 16):
        hist[pl.ds(k * 16, 16)] = zeros16

    cps = [pltpu.async_copy(emb_hbm.at[idxb.at[j]], rows.at[j], sem)
           for j in range(ROWS_PER_W)]

    def row_body(r, carry):
        for k in range(128 // 16):
            v = idx_all[r, pl.ds(k * 16, 16)]
            m = (v >= lo) & (v < lo + VSLICE)
            plsc.addupdate_scatter(hist, [v - lo], ones16, mask=m)
        return carry

    lax.fori_loop(0, IDX_ROWS, row_body, 0)

    for cp in cps:
        cp.wait()
    pltpu.sync_copy(rows, h_out.at[pl.ds(base, ROWS_PER_W)])
    pltpu.sync_copy(hist, hit_out.at[pl.ds(lo, VSLICE)])


@functools.cache
def _sc_gather():
    return pl.kernel(
        _sc_body,
        mesh=plsc.VectorSubcoreMesh(core_axis_name="c", subcore_axis_name="s"),
        out_type=[
            jax.ShapeDtypeStruct((IDX_ROWS, 128, 128), jnp.float32),
            jax.ShapeDtypeStruct((V,), jnp.float32),
        ],
        scratch_types=[
            pltpu.VMEM((IDX_ROWS, 128), jnp.int32),
            pltpu.VMEM((ROWS_PER_W, 128), jnp.int32),
            pltpu.VMEM((ROWS_PER_W, 128, 128), jnp.float32),
            pltpu.VMEM((VSLICE,), jnp.float32),
            pltpu.SemaphoreType.DMA,
        ],
        compiler_params=pltpu.CompilerParams(needs_layout_passes=False),
    )


def _conv_common(h_ref, f_ref, wt_ref, b_ref):
    x = h_ref[0, :, :C]
    wcol = lax.broadcasted_iota(jnp.int32, (HW, C), 0) % W
    acc = jnp.zeros((HW, C), jnp.float32)
    for ky in range(3):
        dy = ky - 1
        for kx in range(3):
            dx = kx - 1
            s = dy * W + dx
            if s > 0:
                patch = jnp.concatenate(
                    [x[s:], jnp.zeros((s, C), jnp.float32)], axis=0)
            elif s < 0:
                patch = jnp.concatenate(
                    [jnp.zeros((-s, C), jnp.float32), x[:HW + s]], axis=0)
            else:
                patch = x
            if dx == 1:
                patch = jnp.where(wcol == W - 1, 0.0, patch)
            elif dx == -1:
                patch = jnp.where(wcol == 0, 0.0, patch)
            acc = acc + jnp.dot(patch, wt_ref[ky, kx],
                                preferred_element_type=jnp.float32)
    fh = x * (1.0 - RESI) + (acc + b_ref[...]) * RESI
    fh_t = fh.T
    dlt = fh_t - f_ref[0]
    return fh_t, jnp.sum(dlt * dlt).reshape(1, 1)


def _conv0_body(h_ref, f_ref, wt_ref, b_ref, out_ref, loss_ref):
    bi = pl.program_id(0)
    fh_t, part = _conv_common(h_ref, f_ref, wt_ref, b_ref)
    out_ref[0] = fh_t

    @pl.when(bi == 0)
    def _():
        loss_ref[...] = jnp.zeros((1, 1), jnp.float32)

    loss_ref[...] += part


def _conv1_body(h_ref, f_ref, wt_ref, b_ref, hp0_ref, hp1_ref, l0_ref,
                out_ref, loss_ref, hit_ref):
    bi = pl.program_id(0)
    fh_t, part = _conv_common(h_ref, f_ref, wt_ref, b_ref)
    out_ref[0] = fh_t

    @pl.when(bi == 0)
    def _():
        loss_ref[...] = l0_ref[...]
        hit_ref[...] = hp0_ref[...] + hp1_ref[...]

    loss_ref[...] += part

    @pl.when(bi == BH - 1)
    def _():
        loss_ref[...] = loss_ref[...] * ((1.0 + BETA) / (B * C * HW))


_conv0 = pl.pallas_call(
    _conv0_body,
    grid=(BH,),
    in_specs=[
        pl.BlockSpec((1, HW, 128), lambda b: (b, 0, 0)),
        pl.BlockSpec((1, C, HW), lambda b: (b, 0, 0)),
        pl.BlockSpec((3, 3, C, C), lambda b: (0, 0, 0, 0)),
        pl.BlockSpec((1, C), lambda b: (0, 0)),
    ],
    out_specs=[
        pl.BlockSpec((1, C, HW), lambda b: (b, 0, 0)),
        pl.BlockSpec((1, 1), lambda b: (0, 0)),
    ],
    out_shape=[
        jax.ShapeDtypeStruct((BH, C, HW), jnp.float32),
        jax.ShapeDtypeStruct((1, 1), jnp.float32),
    ],
)

_conv1 = pl.pallas_call(
    _conv1_body,
    grid=(BH,),
    in_specs=[
        pl.BlockSpec((1, HW, 128), lambda b: (b, 0, 0)),
        pl.BlockSpec((1, C, HW), lambda b: (b + BH, 0, 0)),
        pl.BlockSpec((3, 3, C, C), lambda b: (0, 0, 0, 0)),
        pl.BlockSpec((1, C), lambda b: (0, 0)),
        pl.BlockSpec((1, V), lambda b: (0, 0)),
        pl.BlockSpec((1, V), lambda b: (0, 0)),
        pl.BlockSpec((1, 1), lambda b: (0, 0)),
    ],
    out_specs=[
        pl.BlockSpec((1, C, HW), lambda b: (b, 0, 0)),
        pl.BlockSpec((1, 1), lambda b: (0, 0)),
        pl.BlockSpec((1, V), lambda b: (0, 0)),
    ],
    out_shape=[
        jax.ShapeDtypeStruct((BH, C, HW), jnp.float32),
        jax.ShapeDtypeStruct((1, 1), jnp.float32),
        jax.ShapeDtypeStruct((1, V), jnp.float32),
    ],
)


def kernel(f_BChw, emb, conv_w, conv_b):
    f3 = f_BChw.reshape(B, C, HW)
    en_row = jnp.sum(emb * emb, axis=1)[None]
    emb_pad = jnp.pad(emb, ((0, 0), (0, 128 - C)))
    wt = jnp.transpose(conv_w, (2, 3, 1, 0))
    cb1 = conv_b.reshape(1, C)
    sc = _sc_gather()

    idx0 = _dist0(f3, emb, en_row)
    h0, hit0 = sc(idx0.reshape(IDX_ROWS, 128), emb_pad)
    idx1 = _dist1(f3, emb, en_row)
    h1, hit1 = sc(idx1.reshape(IDX_ROWS, 128), emb_pad)
    fh0, l0 = _conv0(h0.reshape(BH, HW, 128), f3, wt, cb1)
    fh1, loss11, hitO = _conv1(h1.reshape(BH, HW, 128), f3, wt, cb1,
                               hit0.reshape(1, V), hit1.reshape(1, V), l0)
    f_hat = jnp.concatenate([fh0, fh1], axis=0).reshape(B, C, H, W)
    return (f_hat, loss11[0, 0], hitO.reshape(V))

# --- scband reference (transcript-rebuilt; emitter-appended) ---
"""Pipeline reference for scband-vector-quantizer2-21225728377442 (READ-ONLY COPY).

The authoritative reference and input builder live on the scoring server;
editing this copy changes nothing except your own understanding.
"""

import jax, jax.numpy as jnp
import numpy as np

BETA = 0.25
RESI = 0.5

def _phi(h, w, b, r):
    y = jax.lax.conv_general_dilated(h, w, window_strides=(1, 1), padding='SAME',
                                     dimension_numbers=('NCHW', 'OIHW', 'NCHW'))
    y = y + b[None, :, None, None]
    return h * (1.0 - r) + y * r

def setup_inputs(seed: int = 0) -> dict:
    key = jax.random.key(seed)
    k1, k2, k3 = jax.random.split(key, 3)
    f_BChw = jax.random.normal(k1, (32, 64, 32, 32), dtype=jnp.float32)
    emb = jax.random.normal(k2, (8192, 64), dtype=jnp.float32) * 0.02
    conv_w = jax.random.normal(k3, (64, 64, 3, 3), dtype=jnp.float32) * 0.02
    conv_b = jnp.zeros((64,), dtype=jnp.float32)
    return {"f_BChw": f_BChw, "emb": emb, "conv_w": conv_w, "conv_b": conv_b}

def reference(f_BChw, emb, conv_w, conv_b):
    B, C, H, W = f_BChw.shape
    f_ng = jax.lax.stop_gradient(f_BChw)
    # using_znorm=False path: L2 nearest codebook lookup
    rest_NC = jnp.transpose(f_ng, (0, 2, 3, 1)).reshape(-1, C)
    emb_ng = jax.lax.stop_gradient(emb)
    d_no_grad = (jnp.sum(rest_NC * rest_NC, axis=1, keepdims=True)
                 + jnp.sum(emb_ng * emb_ng, axis=1)
                 - 2.0 * (rest_NC @ emb_ng.T))
    idx_N = jnp.argmin(d_no_grad, axis=1)
    hit_V = jnp.bincount(idx_N, length=emb.shape[0]).astype(jnp.float32)
    idx_Bhw = idx_N.reshape(B, H, W)
    h_BChw = jnp.take(emb, idx_Bhw, axis=0)            # [B,H,W,C]
    h_BChw = jnp.transpose(h_BChw, (0, 3, 1, 2))        # [B,C,H,W]
    h_BChw = _phi(h_BChw, conv_w, conv_b, RESI)
    f_hat = h_BChw
    mean_vq_loss = (BETA * jnp.mean((jax.lax.stop_gradient(f_hat) - f_BChw) ** 2)
                    + jnp.mean((f_hat - f_ng) ** 2))
    f_hat_out = jax.lax.stop_gradient(f_hat) - f_ng + f_BChw  # straight-through
    return (f_hat_out, mean_vq_loss, hit_V)

if __name__ == "__main__":
    import jax
    _d = setup_inputs()
    print(jax.jit(kernel)(*tuple(_d.values())))

</pallas_src>

<mosaic_0001>
#map = affine_map<(d0, d1) -> (0, 0)>
#map1 = affine_map<(d0, d1) -> (0, 0, 0)>
#map2 = affine_map<(d0, d1) -> (0)>
module attributes {stable_mosaic.version = 14 : i64} {
  func.func @_sc_body(%arg0: i32, %arg1: i32, %arg2: memref<128x128xi32, #tpu.memory_space<hbm>>, %arg3: memref<8192x128xf32, #tpu.memory_space<hbm>>, %arg4: memref<128x128x128xf32, #tpu.memory_space<hbm>>, %arg5: memref<8192xf32, #tpu.memory_space<hbm>>, %arg6: memref<128x128xi32, #tpu.memory_space<vmem>>, %arg7: memref<4x128xi32, #tpu.memory_space<vmem>>, %arg8: memref<4x128x128xf32, #tpu.memory_space<vmem>>, %arg9: memref<256xf32, #tpu.memory_space<vmem>>, %arg10: memref<!tpu.dma_semaphore, #tpu.memory_space<semaphore_mem>>) attributes {dimension_semantics = [#tpu.dimension_semantics<core_parallel>, #tpu.dimension_semantics<subcore_parallel>], iteration_bounds = array<i64: 2, 16>, scalar_prefetch = 0 : i64, scratch_operands = 5 : i64, tpu.core_type = #tpu.core_type<sc_vector_subcore>, window_params = [{transform_indices = #map}, {transform_indices = #map}, {transform_indices = #map1}, {transform_indices = #map2}]} {
    %mul3A = arith.constant 2 : i32
    %mul3A_0 = arith.muli %arg1, %mul3A : i32
    %add3A = arith.addi %mul3A_0, %arg0 : i32
    %mul3A_1 = arith.constant 4 : i32
    %mul3A_2 = arith.muli %add3A, %mul3A_1 : i32
    "tpu.region"() ({
      %run_scoped3A = tpu.sem_alloc : memref<!tpu.dma_semaphore, #tpu.memory_space<semaphore_mem>>
      tpu.enqueue_dma source(%arg2 : memref<128x128xi32, #tpu.memory_space<hbm>>) target(%arg6 : memref<128x128xi32, #tpu.memory_space<vmem>>) target_semaphore(%run_scoped3A : memref<!tpu.dma_semaphore, #tpu.memory_space<semaphore_mem>>)
      tpu.wait_dma2 semaphore(%run_scoped3A : memref<!tpu.dma_semaphore, #tpu.memory_space<semaphore_mem>>) src(%arg2 : memref<128x128xi32, #tpu.memory_space<hbm>>) dst(%arg6 : memref<128x128xi32, #tpu.memory_space<vmem>>)
      tpu.yield
    }) : () -> ()
    "tpu.region"() ({
      %run_scoped3A = tpu.sem_alloc : memref<!tpu.dma_semaphore, #tpu.memory_space<semaphore_mem>>
      %dma_start3A_138 = arith.constant 0 : i32
      %dma_start3A_139 = tpu.memref_slice %arg2[%mul3A_2, %dma_start3A_138] : memref<128x128xi32, #tpu.memory_space<hbm>> -> memref<4x128xi32, #tpu.memory_space<hbm>>
      %dma_start3A_140 = arith.constant 0 : i32
      %dma_start3A_141 = tpu.memref_slice %arg2[%mul3A_2, %dma_start3A_140] : memref<128x128xi32, #tpu.memory_space<hbm>> -> memref<4x128xi32, #tpu.memory_space<hbm>>
      tpu.enqueue_dma source(%dma_start3A_141 : memref<4x128xi32, #tpu.memory_space<hbm>>) target(%arg7 : memref<4x128xi32, #tpu.memory_space<vmem>>) target_semaphore(%run_scoped3A : memref<!tpu.dma_semaphore, #tpu.memory_space<semaphore_mem>>)
      %dma_wait3A_142 = arith.constant 0 : i32
      %dma_wait3A_143 = tpu.memref_slice %arg2[%mul3A_2, %dma_wait3A_142] : memref<128x128xi32, #tpu.memory_space<hbm>> -> memref<4x128xi32, #tpu.memory_space<hbm>>
      %dma_wait3A_144 = arith.constant 0 : i32
      %dma_wait3A_145 = tpu.memref_slice %arg2[%mul3A_2, %dma_wait3A_144] : memref<128x128xi32, #tpu.memory_space<hbm>> -> memref<4x128xi32, #tpu.memory_space<hbm>>
      tpu.wait_dma2 semaphore(%run_scoped3A : memref<!tpu.dma_semaphore, #tpu.memory_space<semaphore_mem>>) src(%dma_wait3A_145 : memref<4x128xi32, #tpu.memory_space<hbm>>) dst(%arg7 : memref<4x128xi32, #tpu.memory_space<vmem>>)
      tpu.yield
    }) : () -> ()
    %mul3A_3 = arith.constant 256 : i32
    %mul3A_4 = arith.muli %add3A, %mul3A_3 : i32
    %broadcast_in_dim3A = arith.constant 0.000000e+00 : f32
    %broadcast_in_dim3A_5 = vector.broadcast %broadcast_in_dim3A : f32 to vector<16xf32>
    %broadcast_in_dim3A_6 = arith.constant 1.000000e+00 : f32
    %broadcast_in_dim3A_7 = vector.broadcast %broadcast_in_dim3A_6 : f32 to vector<16xf32>
    %swap3A = arith.constant 0 : index
    %swap3A_8 = tpu.vector_load %arg9[%swap3A] {strides = array<i32>} : memref<256xf32, #tpu.memory_space<vmem>>, vector<16xf32>,
    tpu.vector_store %arg9[%swap3A], %broadcast_in_dim3A_5 {strides = array<i32>} : memref<256xf32, #tpu.memory_space<vmem>>, vector<16xf32>,
    %swap3A_9 = arith.constant 16 : index
    %swap3A_10 = tpu.vector_load %arg9[%swap3A_9] {strides = array<i32>} : memref<256xf32, #tpu.memory_space<vmem>>, vector<16xf32>,
    tpu.vector_store %arg9[%swap3A_9], %broadcast_in_dim3A_5 {strides = array<i32>} : memref<256xf32, #tpu.memory_space<vmem>>, vector<16xf32>,
    %swap3A_11 = arith.constant 32 : index
    %swap3A_12 = tpu.vector_load %arg9[%swap3A_11] {strides = array<i32>} : memref<256xf32, #tpu.memory_space<vmem>>, vector<16xf32>,
    tpu.vector_store %arg9[%swap3A_11], %broadcast_in_dim3A_5 {strides = array<i32>} : memref<256xf32, #tpu.memory_space<vmem>>, vector<16xf32>,
    %swap3A_13 = arith.constant 48 : index
    %swap3A_14 = tpu.vector_load %arg9[%swap3A_13] {strides = array<i32>} : memref<256xf32, #tpu.memory_space<vmem>>, vector<16xf32>,
    tpu.vector_store %arg9[%swap3A_13], %broadcast_in_dim3A_5 {strides = array<i32>} : memref<256xf32, #tpu.memory_space<vmem>>, vector<16xf32>,
    %swap3A_15 = arith.constant 64 : index
    %swap3A_16 = tpu.vector_load %arg9[%swap3A_15] {strides = array<i32>} : memref<256xf32, #tpu.memory_space<vmem>>, vector<16xf32>,
    tpu.vector_store %arg9[%swap3A_15], %broadcast_in_dim3A_5 {strides = array<i32>} : memref<256xf32, #tpu.memory_space<vmem>>, vector<16xf32>,
    %swap3A_17 = arith.constant 80 : index
    %swap3A_18 = tpu.vector_load %arg9[%swap3A_17] {strides = array<i32>} : memref<256xf32, #tpu.memory_space<vmem>>, vector<16xf32>,
    tpu.vector_store %arg9[%swap3A_17], %broadcast_in_dim3A_5 {strides = array<i32>} : memref<256xf32, #tpu.memory_space<vmem>>, vector<16xf32>,
    %swap3A_19 = arith.constant 96 : index
    %swap3A_20 = tpu.vector_load %arg9[%swap3A_19] {strides = array<i32>} : memref<256xf32, #tpu.memory_space<vmem>>, vector<16xf32>,
    tpu.vector_store %arg9[%swap3A_19], %broadcast_in_dim3A_5 {strides = array<i32>} : memref<256xf32, #tpu.memory_space<vmem>>, vector<16xf32>,
    %swap3A_21 = arith.constant 112 : index
    %swap3A_22 = tpu.vector_load %arg9[%swap3A_21] {strides = array<i32>} : memref<256xf32, #tpu.memory_space<vmem>>, vector<16xf32>,
    tpu.vector_store %arg9[%swap3A_21], %broadcast_in_dim3A_5 {strides = array<i32>} : memref<256xf32, #tpu.memory_space<vmem>>, vector<16xf32>,
    %swap3A_23 = arith.constant 128 : index
    %swap3A_24 = tpu.vector_load %arg9[%swap3A_23] {strides = array<i32>} : memref<256xf32, #tpu.memory_space<vmem>>, vector<16xf32>,
    tpu.vector_store %arg9[%swap3A_23], %broadcast_in_dim3A_5 {strides = array<i32>} : memref<256xf32, #tpu.memory_space<vmem>>, vector<16xf32>,
    %swap3A_25 = arith.constant 144 : index
    %swap3A_26 = tpu.vector_load %arg9[%swap3A_25] {strides = array<i32>} : memref<256xf32, #tpu.memory_space<vmem>>, vector<16xf32>,
    tpu.vector_store %arg9[%swap3A_25], %broadcast_in_dim3A_5 {strides = array<i32>} : memref<256xf32, #tpu.memory_space<vmem>>, vector<16xf32>,
    %swap3A_27 = arith.constant 160 : index
    %swap3A_28 = tpu.vector_load %arg9[%swap3A_27] {strides = array<i32>} : memref<256xf32, #tpu.memory_space<vmem>>, vector<16xf32>,
    tpu.vector_store %arg9[%swap3A_27], %broadcast_in_dim3A_5 {strides = array<i32>} : memref<256xf32, #tpu.memory_space<vmem>>, vector<16xf32>,
    %swap3A_29 = arith.constant 176 : index
    %swap3A_30 = tpu.vector_load %arg9[%swap3A_29] {strides = array<i32>} : memref<256xf32, #tpu.memory_space<vmem>>, vector<16xf32>,
    tpu.vector_store %arg9[%swap3A_29], %broadcast_in_dim3A_5 {strides = array<i32>} : memref<256xf32, #tpu.memory_space<vmem>>, vector<16xf32>,
    %swap3A_31 = arith.constant 192 : index
    %swap3A_32 = tpu.vector_load %arg9[%swap3A_31] {strides = array<i32>} : memref<256xf32, #tpu.memory_space<vmem>>, vector<16xf32>,
    tpu.vector_store %arg9[%swap3A_31], %broadcast_in_dim3A_5 {strides = array<i32>} : memref<256xf32, #tpu.memory_space<vmem>>, vector<16xf32>,
    %swap3A_33 = arith.constant 208 : index
    %swap3A_34 = tpu.vector_load %arg9[%swap3A_33] {strides = array<i32>} : memref<256xf32, #tpu.memory_space<vmem>>, vector<16xf32>,
    tpu.vector_store %arg9[%swap3A_33], %broadcast_in_dim3A_5 {strides = array<i32>} : memref<256xf32, #tpu.memory_space<vmem>>, vector<16xf32>,
    %swap3A_35 = arith.constant 224 : index
    %swap3A_36 = tpu.vector_load %arg9[%swap3A_35] {strides = array<i32>} : memref<256xf32, #tpu.memory_space<vmem>>, vector<16xf32>,
    tpu.vector_store %arg9[%swap3A_35], %broadcast_in_dim3A_5 {strides = array<i32>} : memref<256xf32, #tpu.memory_space<vmem>>, vector<16xf32>,
    %swap3A_37 = arith.constant 240 : index
    %swap3A_38 = tpu.vector_load %arg9[%swap3A_37] {strides = array<i32>} : memref<256xf32, #tpu.memory_space<vmem>>, vector<16xf32>,
    tpu.vector_store %arg9[%swap3A_37], %broadcast_in_dim3A_5 {strides = array<i32>} : memref<256xf32, #tpu.memory_space<vmem>>, vector<16xf32>,
    %dma_start3A = arith.constant 0 : i32
    %dma_start3A_39 = arith.constant 0 : i32
    %dma_start3A_40 = arith.constant 0 : i32
    %dma_start3A_41 = arith.constant 0 : i32
    %dma_start3A_42 = tpu.memref_slice %arg8[%dma_start3A_39, %dma_start3A_40, %dma_start3A_41] : memref<4x128x128xf32, #tpu.memory_space<vmem>> -> memref<1x128x128xf32, #tpu.memory_space<vmem>>
    %dma_start3A_43 = tpu.memref_squeeze %dma_start3A_42 : memref<1x128x128xf32, #tpu.memory_space<vmem>> -> memref<128x128xf32, #tpu.memory_space<vmem>>
    %dma_start3A_44 = arith.constant 0 : i32
    %dma_start3A_45 = tpu.memref_slice %arg7[%dma_start3A, %dma_start3A_44] : memref<4x128xi32, #tpu.memory_space<vmem>> -> memref<1x128xi32, #tpu.memory_space<vmem>>
    %dma_start3A_46 = tpu.memref_squeeze %dma_start3A_45 : memref<1x128xi32, #tpu.memory_space<vmem>> -> memref<128xi32, #tpu.memory_space<vmem>>
    %dma_start3A_47 = arith.constant 0 : i32
    %dma_start3A_48 = arith.constant 0 : i32
    %dma_start3A_49 = tpu.memref_slice %arg3[%dma_start3A_47, %dma_start3A_48] : memref<8192x128xf32, #tpu.memory_space<hbm>> -> memref<8192x128xf32, #tpu.memory_space<hbm>>
    tpu.enqueue_indirect_dma source(%dma_start3A_49 : memref<8192x128xf32, #tpu.memory_space<hbm>>) target(%dma_start3A_43 : memref<128x128xf32, #tpu.memory_space<vmem>>) offsets(%dma_start3A_46 : memref<128xi32, #tpu.memory_space<vmem>>) semaphore(%arg10 : memref<!tpu.dma_semaphore, #tpu.memory_space<semaphore_mem>>)
    %dma_start3A_50 = arith.constant 1 : i32
    %dma_start3A_51 = arith.constant 1 : i32
    %dma_start3A_52 = arith.constant 0 : i32
    %dma_start3A_53 = arith.constant 0 : i32
    %dma_start3A_54 = tpu.memref_slice %arg8[%dma_start3A_51, %dma_start3A_52, %dma_start3A_53] : memref<4x128x128xf32, #tpu.memory_space<vmem>> -> memref<1x128x128xf32, #tpu.memory_space<vmem>>
    %dma_start3A_55 = tpu.memref_squeeze %dma_start3A_54 : memref<1x128x128xf32, #tpu.memory_space<vmem>> -> memref<128x128xf32, #tpu.memory_space<vmem>>
    %dma_start3A_56 = arith.constant 0 : i32
    %dma_start3A_57 = tpu.memref_slice %arg7[%dma_start3A_50, %dma_start3A_56] : memref<4x128xi32, #tpu.memory_space<vmem>> -> memref<1x128xi32, #tpu.memory_space<vmem>>
    %dma_start3A_58 = tpu.memref_squeeze %dma_start3A_57 : memref<1x128xi32, #tpu.memory_space<vmem>> -> memref<128xi32, #tpu.memory_space<vmem>>
    %dma_start3A_59 = arith.constant 0 : i32
    %dma_start3A_60 = arith.constant 0 : i32
    %dma_start3A_61 = tpu.memref_slice %arg3[%dma_start3A_59, %dma_start3A_60] : memref<8192x128xf32, #tpu.memory_space<hbm>> -> memref<8192x128xf32, #tpu.memory_space<hbm>>
    tpu.enqueue_indirect_dma source(%dma_start3A_61 : memref<8192x128xf32, #tpu.memory_space<hbm>>) target(%dma_start3A_55 : memref<128x128xf32, #tpu.memory_space<vmem>>) offsets(%dma_start3A_58 : memref<128xi32, #tpu.memory_space<vmem>>) semaphore(%arg10 : memref<!tpu.dma_semaphore, #tpu.memory_space<semaphore_mem>>)
    %dma_start3A_62 = arith.constant 2 : i32
    %dma_start3A_63 = arith.constant 2 : i32
    %dma_start3A_64 = arith.constant 0 : i32
    %dma_start3A_65 = arith.constant 0 : i32
    %dma_start3A_66 = tpu.memref_slice %arg8[%dma_start3A_63, %dma_start3A_64, %dma_start3A_65] : memref<4x128x128xf32, #tpu.memory_space<vmem>> -> memref<1x128x128xf32, #tpu.memory_space<vmem>>
    %dma_start3A_67 = tpu.memref_squeeze %dma_start3A_66 : memref<1x128x128xf32, #tpu.memory_space<vmem>> -> memref<128x128xf32, #tpu.memory_space<vmem>>
    %dma_start3A_68 = arith.constant 0 : i32
    %dma_start3A_69 = tpu.memref_slice %arg7[%dma_start3A_62, %dma_start3A_68] : memref<4x128xi32, #tpu.memory_space<vmem>> -> memref<1x128xi32, #tpu.memory_space<vmem>>
    %dma_start3A_70 = tpu.memref_squeeze %dma_start3A_69 : memref<1x128xi32, #tpu.memory_space<vmem>> -> memref<128xi32, #tpu.memory_space<vmem>>
    %dma_start3A_71 = arith.constant 0 : i32
    %dma_start3A_72 = arith.constant 0 : i32
    %dma_start3A_73 = tpu.memref_slice %arg3[%dma_start3A_71, %dma_start3A_72] : memref<8192x128xf32, #tpu.memory_space<hbm>> -> memref<8192x128xf32, #tpu.memory_space<hbm>>
    tpu.enqueue_indirect_dma source(%dma_start3A_73 : memref<8192x128xf32, #tpu.memory_space<hbm>>) target(%dma_start3A_67 : memref<128x128xf32, #tpu.memory_space<vmem>>) offsets(%dma_start3A_70 : memref<128xi32, #tpu.memory_space<vmem>>) semaphore(%arg10 : memref<!tpu.dma_semaphore, #tpu.memory_space<semaphore_mem>>)
    %dma_start3A_74 = arith.constant 3 : i32
    %dma_start3A_75 = arith.constant 3 : i32
    %dma_start3A_76 = arith.constant 0 : i32
    %dma_start3A_77 = arith.constant 0 : i32
    %dma_start3A_78 = tpu.memref_slice %arg8[%dma_start3A_75, %dma_start3A_76, %dma_start3A_77] : memref<4x128x128xf32, #tpu.memory_space<vmem>> -> memref<1x128x128xf32, #tpu.memory_space<vmem>>
    %dma_start3A_79 = tpu.memref_squeeze %dma_start3A_78 : memref<1x128x128xf32, #tpu.memory_space<vmem>> -> memref<128x128xf32, #tpu.memory_space<vmem>>
    %dma_start3A_80 = arith.constant 0 : i32
    %dma_start3A_81 = tpu.memref_slice %arg7[%dma_start3A_74, %dma_start3A_80] : memref<4x128xi32, #tpu.memory_space<vmem>> -> memref<1x128xi32, #tpu.memory_space<vmem>>
    %dma_start3A_82 = tpu.memref_squeeze %dma_start3A_81 : memref<1x128xi32, #tpu.memory_space<vmem>> -> memref<128xi32, #tpu.memory_space<vmem>>
    %dma_start3A_83 = arith.constant 0 : i32
    %dma_start3A_84 = arith.constant 0 : i32
    %dma_start3A_85 = tpu.memref_slice %arg3[%dma_start3A_83, %dma_start3A_84] : memref<8192x128xf32, #tpu.memory_space<hbm>> -> memref<8192x128xf32, #tpu.memory_space<hbm>>
    tpu.enqueue_indirect_dma source(%dma_start3A_85 : memref<8192x128xf32, #tpu.memory_space<hbm>>) target(%dma_start3A_79 : memref<128x128xf32, #tpu.memory_space<vmem>>) offsets(%dma_start3A_82 : memref<128xi32, #tpu.memory_space<vmem>>) semaphore(%arg10 : memref<!tpu.dma_semaphore, #tpu.memory_space<semaphore_mem>>)
    %scan3A = arith.constant 0 : i32
    %scan3A_86 = arith.constant 0 : i32
    %scan3A_87 = arith.constant 128 : i32
    %scan3A_88 = arith.addi %scan3A_86, %scan3A_87 : i32
    %scan3A_89 = arith.constant 1 : i32
    scf.for %scan3A_138 = %scan3A_86 to %scan3A_88 step %scan3A_89  : i32 {
      %get3A = arith.index_cast %scan3A_138 : i32 to index
      %get3A_139 = arith.constant 0 : index
      %get3A_140 = tpu.vector_load %arg6[%get3A, %get3A_139] {strides = array<i32>} : memref<128x128xi32, #tpu.memory_space<vmem>>, vector<16xi32>,
      %ge3A = vector.broadcast %mul3A_4 : i32 to vector<16xi32>
      %ge3A_141 = arith.cmpi sge, %get3A_140, %ge3A : vector<16xi32>
      %add3A_142 = arith.constant 256 : i32
      %add3A_143 = arith.addi %mul3A_4, %add3A_142 : i32
      %lt3A = vector.broadcast %add3A_143 : i32 to vector<16xi32>
      %lt3A_144 = arith.cmpi slt, %get3A_140, %lt3A : vector<16xi32>
      %and3A = arith.andi %ge3A_141, %lt3A_144 : vector<16xi1>
      %sub3A = vector.broadcast %mul3A_4 : i32 to vector<16xi32>
      %sub3A_145 = arith.subi %get3A_140, %sub3A : vector<16xi32>
      tpu.vector_store_idx %arg9[%sub3A_145], %broadcast_in_dim3A_7 masked %and3A {add = true} : memref<256xf32, #tpu.memory_space<vmem>>[vector<16xi32>], vector<16xf32>, vector<16xi1>
      %get3A_146 = arith.index_cast %scan3A_138 : i32 to index
      %get3A_147 = arith.constant 16 : index
      %get3A_148 = tpu.vector_load %arg6[%get3A_146, %get3A_147] {strides = array<i32>} : memref<128x128xi32, #tpu.memory_space<vmem>>, vector<16xi32>,
      %ge3A_149 = vector.broadcast %mul3A_4 : i32 to vector<16xi32>
      %ge3A_150 = arith.cmpi sge, %get3A_148, %ge3A_149 : vector<16xi32>
      %add3A_151 = arith.constant 256 : i32
      %add3A_152 = arith.addi %mul3A_4, %add3A_151 : i32
      %lt3A_153 = vector.broadcast %add3A_152 : i32 to vector<16xi32>
      %lt3A_154 = arith.cmpi slt, %get3A_148, %lt3A_153 : vector<16xi32>
      %and3A_155 = arith.andi %ge3A_150, %lt3A_154 : vector<16xi1>
      %sub3A_156 = vector.broadcast %mul3A_4 : i32 to vector<16xi32>
      %sub3A_157 = arith.subi %get3A_148, %sub3A_156 : vector<16xi32>
      tpu.vector_store_idx %arg9[%sub3A_157], %broadcast_in_dim3A_7 masked %and3A_155 {add = true} : memref<256xf32, #tpu.memory_space<vmem>>[vector<16xi32>], vector<16xf32>, vector<16xi1>
      %get3A_158 = arith.index_cast %scan3A_138 : i32 to index
      %get3A_159 = arith.constant 32 : index
      %get3A_160 = tpu.vector_load %arg6[%get3A_158, %get3A_159] {strides = array<i32>} : memref<128x128xi32, #tpu.memory_space<vmem>>, vector<16xi32>,
      %ge3A_161 = vector.broadcast %mul3A_4 : i32 to vector<16xi32>
      %ge3A_162 = arith.cmpi sge, %get3A_160, %ge3A_161 : vector<16xi32>
      %add3A_163 = arith.constant 256 : i32
      %add3A_164 = arith.addi %mul3A_4, %add3A_163 : i32
      %lt3A_165 = vector.broadcast %add3A_164 : i32 to vector<16xi32>
      %lt3A_166 = arith.cmpi slt, %get3A_160, %lt3A_165 : vector<16xi32>
      %and3A_167 = arith.andi %ge3A_162, %lt3A_166 : vector<16xi1>
      %sub3A_168 = vector.broadcast %mul3A_4 : i32 to vector<16xi32>
      %sub3A_169 = arith.subi %get3A_160, %sub3A_168 : vector<16xi32>
      tpu.vector_store_idx %arg9[%sub3A_169], %broadcast_in_dim3A_7 masked %and3A_167 {add = true} : memref<256xf32, #tpu.memory_space<vmem>>[vector<16xi32>], vector<16xf32>, vector<16xi1>
      %get3A_170 = arith.index_cast %scan3A_138 : i32 to index
      %get3A_171 = arith.constant 48 : index
      %get3A_172 = tpu.vector_load %arg6[%get3A_170, %get3A_171] {strides = array<i32>} : memref<128x128xi32, #tpu.memory_space<vmem>>, vector<16xi32>,
      %ge3A_173 = vector.broadcast %mul3A_4 : i32 to vector<16xi32>
      %ge3A_174 = arith.cmpi sge, %get3A_172, %ge3A_173 : vector<16xi32>
      %add3A_175 = arith.constant 256 : i32
      %add3A_176 = arith.addi %mul3A_4, %add3A_175 : i32
      %lt3A_177 = vector.broadcast %add3A_176 : i32 to vector<16xi32>
      %lt3A_178 = arith.cmpi slt, %get3A_172, %lt3A_177 : vector<16xi32>
      %and3A_179 = arith.andi %ge3A_174, %lt3A_178 : vector<16xi1>
      %sub3A_180 = vector.broadcast %mul3A_4 : i32 to vector<16xi32>
      %sub3A_181 = arith.subi %get3A_172, %sub3A_180 : vector<16xi32>
      tpu.vector_store_idx %arg9[%sub3A_181], %broadcast_in_dim3A_7 masked %and3A_179 {add = true} : memref<256xf32, #tpu.memory_space<vmem>>[vector<16xi32>], vector<16xf32>, vector<16xi1>
      %get3A_182 = arith.index_cast %scan3A_138 : i32 to index
      %get3A_183 = arith.constant 64 : index
      %get3A_184 = tpu.vector_load %arg6[%get3A_182, %get3A_183] {strides = array<i32>} : memref<128x128xi32, #tpu.memory_space<vmem>>, vector<16xi32>,
      %ge3A_185 = vector.broadcast %mul3A_4 : i32 to vector<16xi32>
      %ge3A_186 = arith.cmpi sge, %get3A_184, %ge3A_185 : vector<16xi32>
      %add3A_187 = arith.constant 256 : i32
      %add3A_188 = arith.addi %mul3A_4, %add3A_187 : i32
      %lt3A_189 = vector.broadcast %add3A_188 : i32 to vector<16xi32>
      %lt3A_190 = arith.cmpi slt, %get3A_184, %lt3A_189 : vector<16xi32>
      %and3A_191 = arith.andi %ge3A_186, %lt3A_190 : vector<16xi1>
      %sub3A_192 = vector.broadcast %mul3A_4 : i32 to vector<16xi32>
      %sub3A_193 = arith.subi %get3A_184, %sub3A_192 : vector<16xi32>
      tpu.vector_store_idx %arg9[%sub3A_193], %broadcast_in_dim3A_7 masked %and3A_191 {add = true} : memref<256xf32, #tpu.memory_space<vmem>>[vector<16xi32>], vector<16xf32>, vector<16xi1>
      %get3A_194 = arith.index_cast %scan3A_138 : i32 to index
      %get3A_195 = arith.constant 80 : index
      %get3A_196 = tpu.vector_load %arg6[%get3A_194, %get3A_195] {strides = array<i32>} : memref<128x128xi32, #tpu.memory_space<vmem>>, vector<16xi32>,
      %ge3A_197 = vector.broadcast %mul3A_4 : i32 to vector<16xi32>
      %ge3A_198 = arith.cmpi sge, %get3A_196, %ge3A_197 : vector<16xi32>
      %add3A_199 = arith.constant 256 : i32
      %add3A_200 = arith.addi %mul3A_4, %add3A_199 : i32
      %lt3A_201 = vector.broadcast %add3A_200 : i32 to vector<16xi32>
      %lt3A_202 = arith.cmpi slt, %get3A_196, %lt3A_201 : vector<16xi32>
      %and3A_203 = arith.andi %ge3A_198, %lt3A_202 : vector<16xi1>
      %sub3A_204 = vector.broadcast %mul3A_4 : i32 to vector<16xi32>
      %sub3A_205 = arith.subi %get3A_196, %sub3A_204 : vector<16xi32>
      tpu.vector_store_idx %arg9[%sub3A_205], %broadcast_in_dim3A_7 masked %and3A_203 {add = true} : memref<256xf32, #tpu.memory_space<vmem>>[vector<16xi32>], vector<16xf32>, vector<16xi1>
      %get3A_206 = arith.index_cast %scan3A_138 : i32 to index
      %get3A_207 = arith.constant 96 : index
      %get3A_208 = tpu.vector_load %arg6[%get3A_206, %get3A_207] {strides = array<i32>} : memref<128x128xi32, #tpu.memory_space<vmem>>, vector<16xi32>,
      %ge3A_209 = vector.broadcast %mul3A_4 : i32 to vector<16xi32>
      %ge3A_210 = arith.cmpi sge, %get3A_208, %ge3A_209 : vector<16xi32>
      %add3A_211 = arith.constant 256 : i32
      %add3A_212 = arith.addi %mul3A_4, %add3A_211 : i32
      %lt3A_213 = vector.broadcast %add3A_212 : i32 to vector<16xi32>
      %lt3A_214 = arith.cmpi slt, %get3A_208, %lt3A_213 : vector<16xi32>
      %and3A_215 = arith.andi %ge3A_210, %lt3A_214 : vector<16xi1>
      %sub3A_216 = vector.broadcast %mul3A_4 : i32 to vector<16xi32>
      %sub3A_217 = arith.subi %get3A_208, %sub3A_216 : vector<16xi32>
      tpu.vector_store_idx %arg9[%sub3A_217], %broadcast_in_dim3A_7 masked %and3A_215 {add = true} : memref<256xf32, #tpu.memory_space<vmem>>[vector<16xi32>], vector<16xf32>, vector<16xi1>
      %get3A_218 = arith.index_cast %scan3A_138 : i32 to index
      %get3A_219 = arith.constant 112 : index
      %get3A_220 = tpu.vector_load %arg6[%get3A_218, %get3A_219] {strides = array<i32>} : memref<128x128xi32, #tpu.memory_space<vmem>>, vector<16xi32>,
      %ge3A_221 = vector.broadcast %mul3A_4 : i32 to vector<16xi32>
      %ge3A_222 = arith.cmpi sge, %get3A_220, %ge3A_221 : vector<16xi32>
      %add3A_223 = arith.constant 256 : i32
      %add3A_224 = arith.addi %mul3A_4, %add3A_223 : i32
      %lt3A_225 = vector.broadcast %add3A_224 : i32 to vector<16xi32>
      %lt3A_226 = arith.cmpi slt, %get3A_220, %lt3A_225 : vector<16xi32>
      %and3A_227 = arith.andi %ge3A_222, %lt3A_226 : vector<16xi1>
      %sub3A_228 = vector.broadcast %mul3A_4 : i32 to vector<16xi32>
      %sub3A_229 = arith.subi %get3A_220, %sub3A_228 : vector<16xi32>
      tpu.vector_store_idx %arg9[%sub3A_229], %broadcast_in_dim3A_7 masked %and3A_227 {add = true} : memref<256xf32, #tpu.memory_space<vmem>>[vector<16xi32>], vector<16xf32>, vector<16xi1>
    }
    %scan3A_90 = arith.constant 128 : i32
    %dma_wait3A = arith.constant 0 : i32
    %dma_wait3A_91 = arith.constant 0 : i32
    %dma_wait3A_92 = arith.constant 0 : i32
    %dma_wait3A_93 = arith.constant 0 : i32
    %dma_wait3A_94 = tpu.memref_slice %arg8[%dma_wait3A_91, %dma_wait3A_92, %dma_wait3A_93] : memref<4x128x128xf32, #tpu.memory_space<vmem>> -> memref<1x128x128xf32, #tpu.memory_space<vmem>>
    %dma_wait3A_95 = tpu.memref_squeeze %dma_wait3A_94 : memref<1x128x128xf32, #tpu.memory_space<vmem>> -> memref<128x128xf32, #tpu.memory_space<vmem>>
    %dma_wait3A_96 = arith.constant 0 : i32
    %dma_wait3A_97 = tpu.memref_slice %arg7[%dma_wait3A, %dma_wait3A_96] : memref<4x128xi32, #tpu.memory_space<vmem>> -> memref<1x128xi32, #tpu.memory_space<vmem>>
    %dma_wait3A_98 = tpu.memref_squeeze %dma_wait3A_97 : memref<1x128xi32, #tpu.memory_space<vmem>> -> memref<128xi32, #tpu.memory_space<vmem>>
    %dma_wait3A_99 = arith.constant 0 : i32
    %dma_wait3A_100 = arith.constant 0 : i32
    %dma_wait3A_101 = tpu.memref_slice %arg3[%dma_wait3A_99, %dma_wait3A_100] : memref<8192x128xf32, #tpu.memory_space<hbm>> -> memref<8192x128xf32, #tpu.memory_space<hbm>>
    tpu.wait_indirect_dma semaphore(%arg10 : memref<!tpu.dma_semaphore, #tpu.memory_space<semaphore_mem>>) src(%dma_wait3A_101 : memref<8192x128xf32, #tpu.memory_space<hbm>>) dst(%dma_wait3A_95 : memref<128x128xf32, #tpu.memory_space<vmem>>)
    %dma_wait3A_102 = arith.constant 1 : i32
    %dma_wait3A_103 = arith.constant 1 : i32
    %dma_wait3A_104 = arith.constant 0 : i32
    %dma_wait3A_105 = arith.constant 0 : i32
    %dma_wait3A_106 = tpu.memref_slice %arg8[%dma_wait3A_103, %dma_wait3A_104, %dma_wait3A_105] : memref<4x128x128xf32, #tpu.memory_space<vmem>> -> memref<1x128x128xf32, #tpu.memory_space<vmem>>
    %dma_wait3A_107 = tpu.memref_squeeze %dma_wait3A_106 : memref<1x128x128xf32, #tpu.memory_space<vmem>> -> memref<128x128xf32, #tpu.memory_space<vmem>>
    %dma_wait3A_108 = arith.constant 0 : i32
    %dma_wait3A_109 = tpu.memref_slice %arg7[%dma_wait3A_102, %dma_wait3A_108] : memref<4x128xi32, #tpu.memory_space<vmem>> -> memref<1x128xi32, #tpu.memory_space<vmem>>
    %dma_wait3A_110 = tpu.memref_squeeze %dma_wait3A_109 : memref<1x128xi32, #tpu.memory_space<vmem>> -> memref<128xi32, #tpu.memory_space<vmem>>
    %dma_wait3A_111 = arith.constant 0 : i32
    %dma_wait3A_112 = arith.constant 0 : i32
    %dma_wait3A_113 = tpu.memref_slice %arg3[%dma_wait3A_111, %dma_wait3A_112] : memref<8192x128xf32, #tpu.memory_space<hbm>> -> memref<8192x128xf32, #tpu.memory_space<hbm>>
    tpu.wait_indirect_dma semaphore(%arg10 : memref<!tpu.dma_semaphore, #tpu.memory_space<semaphore_mem>>) src(%dma_wait3A_113 : memref<8192x128xf32, #tpu.memory_space<hbm>>) dst(%dma_wait3A_107 : memref<128x128xf32, #tpu.memory_space<vmem>>)
    %dma_wait3A_114 = arith.constant 2 : i32
    %dma_wait3A_115 = arith.constant 2 : i32
    %dma_wait3A_116 = arith.constant 0 : i32
    %dma_wait3A_117 = arith.constant 0 : i32
    %dma_wait3A_118 = tpu.memref_slice %arg8[%dma_wait3A_115, %dma_wait3A_116, %dma_wait3A_117] : memref<4x128x128xf32, #tpu.memory_space<vmem>> -> memref<1x128x128xf32, #tpu.memory_space<vmem>>
    %dma_wait3A_119 = tpu.memref_squeeze %dma_wait3A_118 : memref<1x128x128xf32, #tpu.memory_space<vmem>> -> memref<128x128xf32, #tpu.memory_space<vmem>>
    %dma_wait3A_120 = arith.constant 0 : i32
    %dma_wait3A_121 = tpu.memref_slice %arg7[%dma_wait3A_114, %dma_wait3A_120] : memref<4x128xi32, #tpu.memory_space<vmem>> -> memref<1x128xi32, #tpu.memory_space<vmem>>
    %dma_wait3A_122 = tpu.memref_squeeze %dma_wait3A_121 : memref<1x128xi32, #tpu.memory_space<vmem>> -> memref<128xi32, #tpu.memory_space<vmem>>
    %dma_wait3A_123 = arith.constant 0 : i32
    %dma_wait3A_124 = arith.constant 0 : i32
    %dma_wait3A_125 = tpu.memref_slice %arg3[%dma_wait3A_123, %dma_wait3A_124] : memref<8192x128xf32, #tpu.memory_space<hbm>> -> memref<8192x128xf32, #tpu.memory_space<hbm>>
    tpu.wait_indirect_dma semaphore(%arg10 : memref<!tpu.dma_semaphore, #tpu.memory_space<semaphore_mem>>) src(%dma_wait3A_125 : memref<8192x128xf32, #tpu.memory_space<hbm>>) dst(%dma_wait3A_119 : memref<128x128xf32, #tpu.memory_space<vmem>>)
    %dma_wait3A_126 = arith.constant 3 : i32
    %dma_wait3A_127 = arith.constant 3 : i32
    %dma_wait3A_128 = arith.constant 0 : i32
    %dma_wait3A_129 = arith.constant 0 : i32
    %dma_wait3A_130 = tpu.memref_slice %arg8[%dma_wait3A_127, %dma_wait3A_128, %dma_wait3A_129] : memref<4x128x128xf32, #tpu.memory_space<vmem>> -> memref<1x128x128xf32, #tpu.memory_space<vmem>>
    %dma_wait3A_131 = tpu.memref_squeeze %dma_wait3A_130 : memref<1x128x128xf32, #tpu.memory_space<vmem>> -> memref<128x128xf32, #tpu.memory_space<vmem>>
    %dma_wait3A_132 = arith.constant 0 : i32
    %dma_wait3A_133 = tpu.memref_slice %arg7[%dma_wait3A_126, %dma_wait3A_132] : memref<4x128xi32, #tpu.memory_space<vmem>> -> memref<1x128xi32, #tpu.memory_space<vmem>>
    %dma_wait3A_134 = tpu.memref_squeeze %dma_wait3A_133 : memref<1x128xi32, #tpu.memory_space<vmem>> -> memref<128xi32, #tpu.memory_space<vmem>>
    %dma_wait3A_135 = arith.constant 0 : i32
    %dma_wait3A_136 = arith.constant 0 : i32
    %dma_wait3A_137 = tpu.memref_slice %arg3[%dma_wait3A_135, %dma_wait3A_136] : memref<8192x128xf32, #tpu.memory_space<hbm>> -> memref<8192x128xf32, #tpu.memory_space<hbm>>
    tpu.wait_indirect_dma semaphore(%arg10 : memref<!tpu.dma_semaphore, #tpu.memory_space<semaphore_mem>>) src(%dma_wait3A_137 : memref<8192x128xf32, #tpu.memory_space<hbm>>) dst(%dma_wait3A_131 : memref<128x128xf32, #tpu.memory_space<vmem>>)
    "tpu.region"() ({
      %run_scoped3A = tpu.sem_alloc : memref<!tpu.dma_semaphore, #tpu.memory_space<semaphore_mem>>
      %dma_start3A_138 = arith.constant 0 : i32
      %dma_start3A_139 = arith.constant 0 : i32
      %dma_start3A_140 = tpu.memref_slice %arg4[%mul3A_2, %dma_start3A_138, %dma_start3A_139] : memref<128x128x128xf32, #tpu.memory_space<hbm>> -> memref<4x128x128xf32, #tpu.memory_space<hbm>>
      %dma_start3A_141 = arith.constant 0 : i32
      %dma_start3A_142 = arith.constant 0 : i32
      %dma_start3A_143 = tpu.memref_slice %arg4[%mul3A_2, %dma_start3A_141, %dma_start3A_142] : memref<128x128x128xf32, #tpu.memory_space<hbm>> -> memref<4x128x128xf32, #tpu.memory_space<hbm>>
      tpu.enqueue_dma source(%arg8 : memref<4x128x128xf32, #tpu.memory_space<vmem>>) target(%dma_start3A_143 : memref<4x128x128xf32, #tpu.memory_space<hbm>>) target_semaphore(%run_scoped3A : memref<!tpu.dma_semaphore, #tpu.memory_space<semaphore_mem>>)
      %dma_wait3A_144 = arith.constant 0 : i32
      %dma_wait3A_145 = arith.constant 0 : i32
      %dma_wait3A_146 = tpu.memref_slice %arg4[%mul3A_2, %dma_wait3A_144, %dma_wait3A_145] : memref<128x128x128xf32, #tpu.memory_space<hbm>> -> memref<4x128x128xf32, #tpu.memory_space<hbm>>
      %dma_wait3A_147 = arith.constant 0 : i32
      %dma_wait3A_148 = arith.constant 0 : i32
      %dma_wait3A_149 = tpu.memref_slice %arg4[%mul3A_2, %dma_wait3A_147, %dma_wait3A_148] : memref<128x128x128xf32, #tpu.memory_space<hbm>> -> memref<4x128x128xf32, #tpu.memory_space<hbm>>
      tpu.wait_dma2 semaphore(%run_scoped3A : memref<!tpu.dma_semaphore, #tpu.memory_space<semaphore_mem>>) src(%arg8 : memref<4x128x128xf32, #tpu.memory_space<vmem>>) dst(%dma_wait3A_149 : memref<4x128x128xf32, #tpu.memory_space<hbm>>)
      tpu.yield
    }) : () -> ()
    "tpu.region"() ({
      %run_scoped3A = tpu.sem_alloc : memref<!tpu.dma_semaphore, #tpu.memory_space<semaphore_mem>>
      %dma_start3A_138 = tpu.memref_slice %arg5[%mul3A_4] : memref<8192xf32, #tpu.memory_space<hbm>> -> memref<256xf32, #tpu.memory_space<hbm>>
      %dma_start3A_139 = tpu.memref_slice %arg5[%mul3A_4] : memref<8192xf32, #tpu.memory_space<hbm>> -> memref<256xf32, #tpu.memory_space<hbm>>
      tpu.enqueue_dma source(%arg9 : memref<256xf32, #tpu.memory_space<vmem>>) target(%dma_start3A_139 : memref<256xf32, #tpu.memory_space<hbm>>) target_semaphore(%run_scoped3A : memref<!tpu.dma_semaphore, #tpu.memory_space<semaphore_mem>>)
      %dma_wait3A_140 = tpu.memref_slice %arg5[%mul3A_4] : memref<8192xf32, #tpu.memory_space<hbm>> -> memref<256xf32, #tpu.memory_space<hbm>>
      %dma_wait3A_141 = tpu.memref_slice %arg5[%mul3A_4] : memref<8192xf32, #tpu.memory_space<hbm>> -> memref<256xf32, #tpu.memory_space<hbm>>
      tpu.wait_dma2 semaphore(%run_scoped3A : memref<!tpu.dma_semaphore, #tpu.memory_space<semaphore_mem>>) src(%arg9 : memref<256xf32, #tpu.memory_space<vmem>>) dst(%dma_wait3A_141 : memref<256xf32, #tpu.memory_space<hbm>>)
      tpu.yield
    }) : () -> ()
    return
  }
}

#map = affine_map<(d0, d1) -> (0, 0)>
#map1 = affine_map<(d0, d1) -> (0, 0, 0)>
#map2 = affine_map<(d0, d1) -> (0)>
module attributes {stable_mosaic.version = 14 : i64} {
  func.func @_sc_body(%arg0: i32, %arg1: i32, %arg2: memref<128x128xi32, #tpu.memory_space<hbm>>, %arg3: memref<8192x128xf32, #tpu.memory_space<hbm>>, %arg4: memref<128x128x128xf32, #tpu.memory_space<hbm>>, %arg5: memref<8192xf32, #tpu.memory_space<hbm>>, %arg6: memref<128x128xi32, #tpu.memory_space<vmem>>, %arg7: memref<4x128xi32, #tpu.memory_space<vmem>>, %arg8: memref<4x128x128xf32, #tpu.memory_space<vmem>>, %arg9: memref<256xf32, #tpu.memory_space<vmem>>, %arg10: memref<!tpu.dma_semaphore, #tpu.memory_space<semaphore_mem>>) attributes {dimension_semantics = [#tpu.dimension_semantics<core_parallel>, #tpu.dimension_semantics<subcore_parallel>], iteration_bounds = array<i64: 2, 16>, scalar_prefetch = 0 : i64, scratch_operands = 5 : i64, tpu.core_type = #tpu.core_type<sc_vector_subcore>, window_params = [{transform_indices = #map}, {transform_indices = #map}, {transform_indices = #map1}, {transform_indices = #map2}]} {
    %mul3A = arith.constant 2 : i32
    %mul3A_0 = arith.muli %arg1, %mul3A : i32
    %add3A = arith.addi %mul3A_0, %arg0 : i32
    %mul3A_1 = arith.constant 4 : i32
    %mul3A_2 = arith.muli %add3A, %mul3A_1 : i32
    "tpu.region"() ({
      %run_scoped3A = tpu.sem_alloc : memref<!tpu.dma_semaphore, #tpu.memory_space<semaphore_mem>>
      tpu.enqueue_dma source(%arg2 : memref<128x128xi32, #tpu.memory_space<hbm>>) target(%arg6 : memref<128x128xi32, #tpu.memory_space<vmem>>) target_semaphore(%run_scoped3A : memref<!tpu.dma_semaphore, #tpu.memory_space<semaphore_mem>>)
      tpu.wait_dma2 semaphore(%run_scoped3A : memref<!tpu.dma_semaphore, #tpu.memory_space<semaphore_mem>>) src(%arg2 : memref<128x128xi32, #tpu.memory_space<hbm>>) dst(%arg6 : memref<128x128xi32, #tpu.memory_space<vmem>>)
      tpu.yield
    }) : () -> ()
    "tpu.region"() ({
      %run_scoped3A = tpu.sem_alloc : memref<!tpu.dma_semaphore, #tpu.memory_space<semaphore_mem>>
      %dma_start3A_138 = arith.constant 0 : i32
      %dma_start3A_139 = tpu.memref_slice %arg2[%mul3A_2, %dma_start3A_138] : memref<128x128xi32, #tpu.memory_space<hbm>> -> memref<4x128xi32, #tpu.memory_space<hbm>>
      %dma_start3A_140 = arith.constant 0 : i32
      %dma_start3A_141 = tpu.memref_slice %arg2[%mul3A_2, %dma_start3A_140] : memref<128x128xi32, #tpu.memory_space<hbm>> -> memref<4x128xi32, #tpu.memory_space<hbm>>
      tpu.enqueue_dma source(%dma_start3A_141 : memref<4x128xi32, #tpu.memory_space<hbm>>) target(%arg7 : memref<4x128xi32, #tpu.memory_space<vmem>>) target_semaphore(%run_scoped3A : memref<!tpu.dma_semaphore, #tpu.memory_space<semaphore_mem>>)
      %dma_wait3A_142 = arith.constant 0 : i32
      %dma_wait3A_143 = tpu.memref_slice %arg2[%mul3A_2, %dma_wait3A_142] : memref<128x128xi32, #tpu.memory_space<hbm>> -> memref<4x128xi32, #tpu.memory_space<hbm>>
      %dma_wait3A_144 = arith.constant 0 : i32
      %dma_wait3A_145 = tpu.memref_slice %arg2[%mul3A_2, %dma_wait3A_144] : memref<128x128xi32, #tpu.memory_space<hbm>> -> memref<4x128xi32, #tpu.memory_space<hbm>>
      tpu.wait_dma2 semaphore(%run_scoped3A : memref<!tpu.dma_semaphore, #tpu.memory_space<semaphore_mem>>) src(%dma_wait3A_145 : memref<4x128xi32, #tpu.memory_space<hbm>>) dst(%arg7 : memref<4x128xi32, #tpu.memory_space<vmem>>)
      tpu.yield
    }) : () -> ()
    %mul3A_3 = arith.constant 256 : i32
    %mul3A_4 = arith.muli %add3A, %mul3A_3 : i32
    %broadcast_in_dim3A = arith.constant 0.000000e+00 : f32
    %broadcast_in_dim3A_5 = vector.broadcast %broadcast_in_dim3A : f32 to vector<16xf32>
    %broadcast_in_dim3A_6 = arith.constant 1.000000e+00 : f32
    %broadcast_in_dim3A_7 = vector.broadcast %broadcast_in_dim3A_6 : f32 to vector<16xf32>
    %swap3A = arith.constant 0 : index
    %swap3A_8 = tpu.vector_load %arg9[%swap3A] {strides = array<i32>} : memref<256xf32, #tpu.memory_space<vmem>>, vector<16xf32>,
    tpu.vector_store %arg9[%swap3A], %broadcast_in_dim3A_5 {strides = array<i32>} : memref<256xf32, #tpu.memory_space<vmem>>, vector<16xf32>,
    %swap3A_9 = arith.constant 16 : index
    %swap3A_10 = tpu.vector_load %arg9[%swap3A_9] {strides = array<i32>} : memref<256xf32, #tpu.memory_space<vmem>>, vector<16xf32>,
    tpu.vector_store %arg9[%swap3A_9], %broadcast_in_dim3A_5 {strides = array<i32>} : memref<256xf32, #tpu.memory_space<vmem>>, vector<16xf32>,
    %swap3A_11 = arith.constant 32 : index
    %swap3A_12 = tpu.vector_load %arg9[%swap3A_11] {strides = array<i32>} : memref<256xf32, #tpu.memory_space<vmem>>, vector<16xf32>,
    tpu.vector_store %arg9[%swap3A_11], %broadcast_in_dim3A_5 {strides = array<i32>} : memref<256xf32, #tpu.memory_space<vmem>>, vector<16xf32>,
    %swap3A_13 = arith.constant 48 : index
    %swap3A_14 = tpu.vector_load %arg9[%swap3A_13] {strides = array<i32>} : memref<256xf32, #tpu.memory_space<vmem>>, vector<16xf32>,
    tpu.vector_store %arg9[%swap3A_13], %broadcast_in_dim3A_5 {strides = array<i32>} : memref<256xf32, #tpu.memory_space<vmem>>, vector<16xf32>,
    %swap3A_15 = arith.constant 64 : index
    %swap3A_16 = tpu.vector_load %arg9[%swap3A_15] {strides = array<i32>} : memref<256xf32, #tpu.memory_space<vmem>>, vector<16xf32>,
    tpu.vector_store %arg9[%swap3A_15], %broadcast_in_dim3A_5 {strides = array<i32>} : memref<256xf32, #tpu.memory_space<vmem>>, vector<16xf32>,
    %swap3A_17 = arith.constant 80 : index
    %swap3A_18 = tpu.vector_load %arg9[%swap3A_17] {strides = array<i32>} : memref<256xf32, #tpu.memory_space<vmem>>, vector<16xf32>,
    tpu.vector_store %arg9[%swap3A_17], %broadcast_in_dim3A_5 {strides = array<i32>} : memref<256xf32, #tpu.memory_space<vmem>>, vector<16xf32>,
    %swap3A_19 = arith.constant 96 : index
    %swap3A_20 = tpu.vector_load %arg9[%swap3A_19] {strides = array<i32>} : memref<256xf32, #tpu.memory_space<vmem>>, vector<16xf32>,
    tpu.vector_store %arg9[%swap3A_19], %broadcast_in_dim3A_5 {strides = array<i32>} : memref<256xf32, #tpu.memory_space<vmem>>, vector<16xf32>,
    %swap3A_21 = arith.constant 112 : index
    %swap3A_22 = tpu.vector_load %arg9[%swap3A_21] {strides = array<i32>} : memref<256xf32, #tpu.memory_space<vmem>>, vector<16xf32>,
    tpu.vector_store %arg9[%swap3A_21], %broadcast_in_dim3A_5 {strides = array<i32>} : memref<256xf32, #tpu.memory_space<vmem>>, vector<16xf32>,
    %swap3A_23 = arith.constant 128 : index
    %swap3A_24 = tpu.vector_load %arg9[%swap3A_23] {strides = array<i32>} : memref<256xf32, #tpu.memory_space<vmem>>, vector<16xf32>,
    tpu.vector_store %arg9[%swap3A_23], %broadcast_in_dim3A_5 {strides = array<i32>} : memref<256xf32, #tpu.memory_space<vmem>>, vector<16xf32>,
    %swap3A_25 = arith.constant 144 : index
    %swap3A_26 = tpu.vector_load %arg9[%swap3A_25] {strides = array<i32>} : memref<256xf32, #tpu.memory_space<vmem>>, vector<16xf32>,
    tpu.vector_store %arg9[%swap3A_25], %broadcast_in_dim3A_5 {strides = array<i32>} : memref<256xf32, #tpu.memory_space<vmem>>, vector<16xf32>,
    %swap3A_27 = arith.constant 160 : index
    %swap3A_28 = tpu.vector_load %arg9[%swap3A_27] {strides = array<i32>} : memref<256xf32, #tpu.memory_space<vmem>>, vector<16xf32>,
    tpu.vector_store %arg9[%swap3A_27], %broadcast_in_dim3A_5 {strides = array<i32>} : memref<256xf32, #tpu.memory_space<vmem>>, vector<16xf32>,
    %swap3A_29 = arith.constant 176 : index
    %swap3A_30 = tpu.vector_load %arg9[%swap3A_29] {strides = array<i32>} : memref<256xf32, #tpu.memory_space<vmem>>, vector<16xf32>,
    tpu.vector_store %arg9[%swap3A_29], %broadcast_in_dim3A_5 {strides = array<i32>} : memref<256xf32, #tpu.memory_space<vmem>>, vector<16xf32>,
    %swap3A_31 = arith.constant 192 : index
    %swap3A_32 = tpu.vector_load %arg9[%swap3A_31] {strides = array<i32>} : memref<256xf32, #tpu.memory_space<vmem>>, vector<16xf32>,
    tpu.vector_store %arg9[%swap3A_31], %broadcast_in_dim3A_5 {strides = array<i32>} : memref<256xf32, #tpu.memory_space<vmem>>, vector<16xf32>,
    %swap3A_33 = arith.constant 208 : index
    %swap3A_34 = tpu.vector_load %arg9[%swap3A_33] {strides = array<i32>} : memref<256xf32, #tpu.memory_space<vmem>>, vector<16xf32>,
    tpu.vector_store %arg9[%swap3A_33], %broadcast_in_dim3A_5 {strides = array<i32>} : memref<256xf32, #tpu.memory_space<vmem>>, vector<16xf32>,
    %swap3A_35 = arith.constant 224 : index
    %swap3A_36 = tpu.vector_load %arg9[%swap3A_35] {strides = array<i32>} : memref<256xf32, #tpu.memory_space<vmem>>, vector<16xf32>,
    tpu.vector_store %arg9[%swap3A_35], %broadcast_in_dim3A_5 {strides = array<i32>} : memref<256xf32, #tpu.memory_space<vmem>>, vector<16xf32>,
    %swap3A_37 = arith.constant 240 : index
    %swap3A_38 = tpu.vector_load %arg9[%swap3A_37] {strides = array<i32>} : memref<256xf32, #tpu.memory_space<vmem>>, vector<16xf32>,
    tpu.vector_store %arg9[%swap3A_37], %broadcast_in_dim3A_5 {strides = array<i32>} : memref<256xf32, #tpu.memory_space<vmem>>, vector<16xf32>,
    %dma_start3A = arith.constant 0 : i32
    %dma_start3A_39 = arith.constant 0 : i32
    %dma_start3A_40 = arith.constant 0 : i32
    %dma_start3A_41 = arith.constant 0 : i32
    %dma_start3A_42 = tpu.memref_slice %arg8[%dma_start3A_39, %dma_start3A_40, %dma_start3A_41] : memref<4x128x128xf32, #tpu.memory_space<vmem>> -> memref<1x128x128xf32, #tpu.memory_space<vmem>>
    %dma_start3A_43 = tpu.memref_squeeze %dma_start3A_42 : memref<1x128x128xf32, #tpu.memory_space<vmem>> -> memref<128x128xf32, #tpu.memory_space<vmem>>
    %dma_start3A_44 = arith.constant 0 : i32
    %dma_start3A_45 = tpu.memref_slice %arg7[%dma_start3A, %dma_start3A_44] : memref<4x128xi32, #tpu.memory_space<vmem>> -> memref<1x128xi32, #tpu.memory_space<vmem>>
    %dma_start3A_46 = tpu.memref_squeeze %dma_start3A_45 : memref<1x128xi32, #tpu.memory_space<vmem>> -> memref<128xi32, #tpu.memory_space<vmem>>
    %dma_start3A_47 = arith.constant 0 : i32
    %dma_start3A_48 = arith.constant 0 : i32
    %dma_start3A_49 = tpu.memref_slice %arg3[%dma_start3A_47, %dma_start3A_48] : memref<8192x128xf32, #tpu.memory_space<hbm>> -> memref<8192x128xf32, #tpu.memory_space<hbm>>
    tpu.enqueue_indirect_dma source(%dma_start3A_49 : memref<8192x128xf32, #tpu.memory_space<hbm>>) target(%dma_start3A_43 : memref<128x128xf32, #tpu.memory_space<vmem>>) offsets(%dma_start3A_46 : memref<128xi32, #tpu.memory_space<vmem>>) semaphore(%arg10 : memref<!tpu.dma_semaphore, #tpu.memory_space<semaphore_mem>>)
    %dma_start3A_50 = arith.constant 1 : i32
    %dma_start3A_51 = arith.constant 1 : i32
    %dma_start3A_52 = arith.constant 0 : i32
    %dma_start3A_53 = arith.constant 0 : i32
    %dma_start3A_54 = tpu.memref_slice %arg8[%dma_start3A_51, %dma_start3A_52, %dma_start3A_53] : memref<4x128x128xf32, #tpu.memory_space<vmem>> -> memref<1x128x128xf32, #tpu.memory_space<vmem>>
    %dma_start3A_55 = tpu.memref_squeeze %dma_start3A_54 : memref<1x128x128xf32, #tpu.memory_space<vmem>> -> memref<128x128xf32, #tpu.memory_space<vmem>>
    %dma_start3A_56 = arith.constant 0 : i32
    %dma_start3A_57 = tpu.memref_slice %arg7[%dma_start3A_50, %dma_start3A_56] : memref<4x128xi32, #tpu.memory_space<vmem>> -> memref<1x128xi32, #tpu.memory_space<vmem>>
    %dma_start3A_58 = tpu.memref_squeeze %dma_start3A_57 : memref<1x128xi32, #tpu.memory_space<vmem>> -> memref<128xi32, #tpu.memory_space<vmem>>
    %dma_start3A_59 = arith.constant 0 : i32
    %dma_start3A_60 = arith.constant 0 : i32
    %dma_start3A_61 = tpu.memref_slice %arg3[%dma_start3A_59, %dma_start3A_60] : memref<8192x128xf32, #tpu.memory_space<hbm>> -> memref<8192x128xf32, #tpu.memory_space<hbm>>
    tpu.enqueue_indirect_dma source(%dma_start3A_61 : memref<8192x128xf32, #tpu.memory_space<hbm>>) target(%dma_start3A_55 : memref<128x128xf32, #tpu.memory_space<vmem>>) offsets(%dma_start3A_58 : memref<128xi32, #tpu.memory_space<vmem>>) semaphore(%arg10 : memref<!tpu.dma_semaphore, #tpu.memory_space<semaphore_mem>>)
    %dma_start3A_62 = arith.constant 2 : i32
    %dma_start3A_63 = arith.constant 2 : i32
    %dma_start3A_64 = arith.constant 0 : i32
    %dma_start3A_65 = arith.constant 0 : i32
    %dma_start3A_66 = tpu.memref_slice %arg8[%dma_start3A_63, %dma_start3A_64, %dma_start3A_65] : memref<4x128x128xf32, #tpu.memory_space<vmem>> -> memref<1x128x128xf32, #tpu.memory_space<vmem>>
    %dma_start3A_67 = tpu.memref_squeeze %dma_start3A_66 : memref<1x128x128xf32, #tpu.memory_space<vmem>> -> memref<128x128xf32, #tpu.memory_space<vmem>>
    %dma_start3A_68 = arith.constant 0 : i32
    %dma_start3A_69 = tpu.memref_slice %arg7[%dma_start3A_62, %dma_start3A_68] : memref<4x128xi32, #tpu.memory_space<vmem>> -> memref<1x128xi32, #tpu.memory_space<vmem>>
    %dma_start3A_70 = tpu.memref_squeeze %dma_start3A_69 : memref<1x128xi32, #tpu.memory_space<vmem>> -> memref<128xi32, #tpu.memory_space<vmem>>
    %dma_start3A_71 = arith.constant 0 : i32
    %dma_start3A_72 = arith.constant 0 : i32
    %dma_start3A_73 = tpu.memref_slice %arg3[%dma_start3A_71, %dma_start3A_72] : memref<8192x128xf32, #tpu.memory_space<hbm>> -> memref<8192x128xf32, #tpu.memory_space<hbm>>
    tpu.enqueue_indirect_dma source(%dma_start3A_73 : memref<8192x128xf32, #tpu.memory_space<hbm>>) target(%dma_start3A_67 : memref<128x128xf32, #tpu.memory_space<vmem>>) offsets(%dma_start3A_70 : memref<128xi32, #tpu.memory_space<vmem>>) semaphore(%arg10 : memref<!tpu.dma_semaphore, #tpu.memory_space<semaphore_mem>>)
    %dma_start3A_74 = arith.constant 3 : i32
    %dma_start3A_75 = arith.constant 3 : i32
    %dma_start3A_76 = arith.constant 0 : i32
    %dma_start3A_77 = arith.constant 0 : i32
    %dma_start3A_78 = tpu.memref_slice %arg8[%dma_start3A_75, %dma_start3A_76, %dma_start3A_77] : memref<4x128x128xf32, #tpu.memory_space<vmem>> -> memref<1x128x128xf32, #tpu.memory_space<vmem>>
    %dma_start3A_79 = tpu.memref_squeeze %dma_start3A_78 : memref<1x128x128xf32, #tpu.memory_space<vmem>> -> memref<128x128xf32, #tpu.memory_space<vmem>>
    %dma_start3A_80 = arith.constant 0 : i32
    %dma_start3A_81 = tpu.memref_slice %arg7[%dma_start3A_74, %dma_start3A_80] : memref<4x128xi32, #tpu.memory_space<vmem>> -> memref<1x128xi32, #tpu.memory_space<vmem>>
    %dma_start3A_82 = tpu.memref_squeeze %dma_start3A_81 : memref<1x128xi32, #tpu.memory_space<vmem>> -> memref<128xi32, #tpu.memory_space<vmem>>
    %dma_start3A_83 = arith.constant 0 : i32
    %dma_start3A_84 = arith.constant 0 : i32
    %dma_start3A_85 = tpu.memref_slice %arg3[%dma_start3A_83, %dma_start3A_84] : memref<8192x128xf32, #tpu.memory_space<hbm>> -> memref<8192x128xf32, #tpu.memory_space<hbm>>
    tpu.enqueue_indirect_dma source(%dma_start3A_85 : memref<8192x128xf32, #tpu.memory_space<hbm>>) target(%dma_start3A_79 : memref<128x128xf32, #tpu.memory_space<vmem>>) offsets(%dma_start3A_82 : memref<128xi32, #tpu.memory_space<vmem>>) semaphore(%arg10 : memref<!tpu.dma_semaphore, #tpu.memory_space<semaphore_mem>>)
    %scan3A = arith.constant 0 : i32
    %scan3A_86 = arith.constant 0 : i32
    %scan3A_87 = arith.constant 128 : i32
    %scan3A_88 = arith.addi %scan3A_86, %scan3A_87 : i32
    %scan3A_89 = arith.constant 1 : i32
    scf.for %scan3A_138 = %scan3A_86 to %scan3A_88 step %scan3A_89  : i32 {
      %get3A = arith.index_cast %scan3A_138 : i32 to index
      %get3A_139 = arith.constant 0 : index
      %get3A_140 = tpu.vector_load %arg6[%get3A, %get3A_139] {strides = array<i32>} : memref<128x128xi32, #tpu.memory_space<vmem>>, vector<16xi32>,
      %ge3A = vector.broadcast %mul3A_4 : i32 to vector<16xi32>
      %ge3A_141 = arith.cmpi sge, %get3A_140, %ge3A : vector<16xi32>
      %add3A_142 = arith.constant 256 : i32
      %add3A_143 = arith.addi %mul3A_4, %add3A_142 : i32
      %lt3A = vector.broadcast %add3A_143 : i32 to vector<16xi32>
      %lt3A_144 = arith.cmpi slt, %get3A_140, %lt3A : vector<16xi32>
      %and3A = arith.andi %ge3A_141, %lt3A_144 : vector<16xi1>
      %sub3A = vector.broadcast %mul3A_4 : i32 to vector<16xi32>
      %sub3A_145 = arith.subi %get3A_140, %sub3A : vector<16xi32>
      tpu.vector_store_idx %arg9[%sub3A_145], %broadcast_in_dim3A_7 masked %and3A {add = true} : memref<256xf32, #tpu.memory_space<vmem>>[vector<16xi32>], vector<16xf32>, vector<16xi1>
      %get3A_146 = arith.index_cast %scan3A_138 : i32 to index
      %get3A_147 = arith.constant 16 : index
      %get3A_148 = tpu.vector_load %arg6[%get3A_146, %get3A_147] {strides = array<i32>} : memref<128x128xi32, #tpu.memory_space<vmem>>, vector<16xi32>,
      %ge3A_149 = vector.broadcast %mul3A_4 : i32 to vector<16xi32>
      %ge3A_150 = arith.cmpi sge, %get3A_148, %ge3A_149 : vector<16xi32>
      %add3A_151 = arith.constant 256 : i32
      %add3A_152 = arith.addi %mul3A_4, %add3A_151 : i32
      %lt3A_153 = vector.broadcast %add3A_152 : i32 to vector<16xi32>
      %lt3A_154 = arith.cmpi slt, %get3A_148, %lt3A_153 : vector<16xi32>
      %and3A_155 = arith.andi %ge3A_150, %lt3A_154 : vector<16xi1>
      %sub3A_156 = vector.broadcast %mul3A_4 : i32 to vector<16xi32>
      %sub3A_157 = arith.subi %get3A_148, %sub3A_156 : vector<16xi32>
      tpu.vector_store_idx %arg9[%sub3A_157], %broadcast_in_dim3A_7 masked %and3A_155 {add = true} : memref<256xf32, #tpu.memory_space<vmem>>[vector<16xi32>], vector<16xf32>, vector<16xi1>
      %get3A_158 = arith.index_cast %scan3A_138 : i32 to index
      %get3A_159 = arith.constant 32 : index
      %get3A_160 = tpu.vector_load %arg6[%get3A_158, %get3A_159] {strides = array<i32>} : memref<128x128xi32, #tpu.memory_space<vmem>>, vector<16xi32>,
      %ge3A_161 = vector.broadcast %mul3A_4 : i32 to vector<16xi32>
      %ge3A_162 = arith.cmpi sge, %get3A_160, %ge3A_161 : vector<16xi32>
      %add3A_163 = arith.constant 256 : i32
      %add3A_164 = arith.addi %mul3A_4, %add3A_163 : i32
      %lt3A_165 = vector.broadcast %add3A_164 : i32 to vector<16xi32>
      %lt3A_166 = arith.cmpi slt, %get3A_160, %lt3A_165 : vector<16xi32>
      %and3A_167 = arith.andi %ge3A_162, %lt3A_166 : vector<16xi1>
      %sub3A_168 = vector.broadcast %mul3A_4 : i32 to vector<16xi32>
      %sub3A_169 = arith.subi %get3A_160, %sub3A_168 : vector<16xi32>
      tpu.vector_store_idx %arg9[%sub3A_169], %broadcast_in_dim3A_7 masked %and3A_167 {add = true} : memref<256xf32, #tpu.memory_space<vmem>>[vector<16xi32>], vector<16xf32>, vector<16xi1>
      %get3A_170 = arith.index_cast %scan3A_138 : i32 to index
      %get3A_171 = arith.constant 48 : index
      %get3A_172 = tpu.vector_load %arg6[%get3A_170, %get3A_171] {strides = array<i32>} : memref<128x128xi32, #tpu.memory_space<vmem>>, vector<16xi32>,
      %ge3A_173 = vector.broadcast %mul3A_4 : i32 to vector<16xi32>
      %ge3A_174 = arith.cmpi sge, %get3A_172, %ge3A_173 : vector<16xi32>
      %add3A_175 = arith.constant 256 : i32
      %add3A_176 = arith.addi %mul3A_4, %add3A_175 : i32
      %lt3A_177 = vector.broadcast %add3A_176 : i32 to vector<16xi32>
      %lt3A_178 = arith.cmpi slt, %get3A_172, %lt3A_177 : vector<16xi32>
      %and3A_179 = arith.andi %ge3A_174, %lt3A_178 : vector<16xi1>
      %sub3A_180 = vector.broadcast %mul3A_4 : i32 to vector<16xi32>
      %sub3A_181 = arith.subi %get3A_172, %sub3A_180 : vector<16xi32>
      tpu.vector_store_idx %arg9[%sub3A_181], %broadcast_in_dim3A_7 masked %and3A_179 {add = true} : memref<256xf32, #tpu.memory_space<vmem>>[vector<16xi32>], vector<16xf32>, vector<16xi1>
      %get3A_182 = arith.index_cast %scan3A_138 : i32 to index
      %get3A_183 = arith.constant 64 : index
      %get3A_184 = tpu.vector_load %arg6[%get3A_182, %get3A_183] {strides = array<i32>} : memref<128x128xi32, #tpu.memory_space<vmem>>, vector<16xi32>,
      %ge3A_185 = vector.broadcast %mul3A_4 : i32 to vector<16xi32>
      %ge3A_186 = arith.cmpi sge, %get3A_184, %ge3A_185 : vector<16xi32>
      %add3A_187 = arith.constant 256 : i32
      %add3A_188 = arith.addi %mul3A_4, %add3A_187 : i32
      %lt3A_189 = vector.broadcast %add3A_188 : i32 to vector<16xi32>
      %lt3A_190 = arith.cmpi slt, %get3A_184, %lt3A_189 : vector<16xi32>
      %and3A_191 = arith.andi %ge3A_186, %lt3A_190 : vector<16xi1>
      %sub3A_192 = vector.broadcast %mul3A_4 : i32 to vector<16xi32>
      %sub3A_193 = arith.subi %get3A_184, %sub3A_192 : vector<16xi32>
      tpu.vector_store_idx %arg9[%sub3A_193], %broadcast_in_dim3A_7 masked %and3A_191 {add = true} : memref<256xf32, #tpu.memory_space<vmem>>[vector<16xi32>], vector<16xf32>, vector<16xi1>
      %get3A_194 = arith.index_cast %scan3A_138 : i32 to index
      %get3A_195 = arith.constant 80 : index
      %get3A_196 = tpu.vector_load %arg6[%get3A_194, %get3A_195] {strides = array<i32>} : memref<128x128xi32, #tpu.memory_space<vmem>>, vector<16xi32>,
      %ge3A_197 = vector.broadcast %mul3A_4 : i32 to vector<16xi32>
      %ge3A_198 = arith.cmpi sge, %get3A_196, %ge3A_197 : vector<16xi32>
      %add3A_199 = arith.constant 256 : i32
      %add3A_200 = arith.addi %mul3A_4, %add3A_199 : i32
      %lt3A_201 = vector.broadcast %add3A_200 : i32 to vector<16xi32>
      %lt3A_202 = arith.cmpi slt, %get3A_196, %lt3A_201 : vector<16xi32>
      %and3A_203 = arith.andi %ge3A_198, %lt3A_202 : vector<16xi1>
      %sub3A_204 = vector.broadcast %mul3A_4 : i32 to vector<16xi32>
      %sub3A_205 = arith.subi %get3A_196, %sub3A_204 : vector<16xi32>
      tpu.vector_store_idx %arg9[%sub3A_205], %broadcast_in_dim3A_7 masked %and3A_203 {add = true} : memref<256xf32, #tpu.memory_space<vmem>>[vector<16xi32>], vector<16xf32>, vector<16xi1>
      %get3A_206 = arith.index_cast %scan3A_138 : i32 to index
      %get3A_207 = arith.constant 96 : index
      %get3A_208 = tpu.vector_load %arg6[%get3A_206, %get3A_207] {strides = array<i32>} : memref<128x128xi32, #tpu.memory_space<vmem>>, vector<16xi32>,
      %ge3A_209 = vector.broadcast %mul3A_4 : i32 to vector<16xi32>
      %ge3A_210 = arith.cmpi sge, %get3A_208, %ge3A_209 : vector<16xi32>
      %add3A_211 = arith.constant 256 : i32
      %add3A_212 = arith.addi %mul3A_4, %add3A_211 : i32
      %lt3A_213 = vector.broadcast %add3A_212 : i32 to vector<16xi32>
      %lt3A_214 = arith.cmpi slt, %get3A_208, %lt3A_213 : vector<16xi32>
      %and3A_215 = arith.andi %ge3A_210, %lt3A_214 : vector<16xi1>
      %sub3A_216 = vector.broadcast %mul3A_4 : i32 to vector<16xi32>
      %sub3A_217 = arith.subi %get3A_208, %sub3A_216 : vector<16xi32>
      tpu.vector_store_idx %arg9[%sub3A_217], %broadcast_in_dim3A_7 masked %and3A_215 {add = true} : memref<256xf32, #tpu.memory_space<vmem>>[vector<16xi32>], vector<16xf32>, vector<16xi1>
      %get3A_218 = arith.index_cast %scan3A_138 : i32 to index
      %get3A_219 = arith.constant 112 : index
      %get3A_220 = tpu.vector_load %arg6[%get3A_218, %get3A_219] {strides = array<i32>} : memref<128x128xi32, #tpu.memory_space<vmem>>, vector<16xi32>,
      %ge3A_221 = vector.broadcast %mul3A_4 : i32 to vector<16xi32>
      %ge3A_222 = arith.cmpi sge, %get3A_220, %ge3A_221 : vector<16xi32>
      %add3A_223 = arith.constant 256 : i32
      %add3A_224 = arith.addi %mul3A_4, %add3A_223 : i32
      %lt3A_225 = vector.broadcast %add3A_224 : i32 to vector<16xi32>
      %lt3A_226 = arith.cmpi slt, %get3A_220, %lt3A_225 : vector<16xi32>
      %and3A_227 = arith.andi %ge3A_222, %lt3A_226 : vector<16xi1>
      %sub3A_228 = vector.broadcast %mul3A_4 : i32 to vector<16xi32>
      %sub3A_229 = arith.subi %get3A_220, %sub3A_228 : vector<16xi32>
      tpu.vector_store_idx %arg9[%sub3A_229], %broadcast_in_dim3A_7 masked %and3A_227 {add = true} : memref<256xf32, #tpu.memory_space<vmem>>[vector<16xi32>], vector<16xf32>, vector<16xi1>
    }
    %scan3A_90 = arith.constant 128 : i32
    %dma_wait3A = arith.constant 0 : i32
    %dma_wait3A_91 = arith.constant 0 : i32
    %dma_wait3A_92 = arith.constant 0 : i32
    %dma_wait3A_93 = arith.constant 0 : i32
    %dma_wait3A_94 = tpu.memref_slice %arg8[%dma_wait3A_91, %dma_wait3A_92, %dma_wait3A_93] : memref<4x128x128xf32, #tpu.memory_space<vmem>> -> memref<1x128x128xf32, #tpu.memory_space<vmem>>
    %dma_wait3A_95 = tpu.memref_squeeze %dma_wait3A_94 : memref<1x128x128xf32, #tpu.memory_space<vmem>> -> memref<128x128xf32, #tpu.memory_space<vmem>>
    %dma_wait3A_96 = arith.constant 0 : i32
    %dma_wait3A_97 = tpu.memref_slice %arg7[%dma_wait3A, %dma_wait3A_96] : memref<4x128xi32, #tpu.memory_space<vmem>> -> memref<1x128xi32, #tpu.memory_space<vmem>>
    %dma_wait3A_98 = tpu.memref_squeeze %dma_wait3A_97 : memref<1x128xi32, #tpu.memory_space<vmem>> -> memref<128xi32, #tpu.memory_space<vmem>>
    %dma_wait3A_99 = arith.constant 0 : i32
    %dma_wait3A_100 = arith.constant 0 : i32
    %dma_wait3A_101 = tpu.memref_slice %arg3[%dma_wait3A_99, %dma_wait3A_100] : memref<8192x128xf32, #tpu.memory_space<hbm>> -> memref<8192x128xf32, #tpu.memory_space<hbm>>
    tpu.wait_indirect_dma semaphore(%arg10 : memref<!tpu.dma_semaphore, #tpu.memory_space<semaphore_mem>>) src(%dma_wait3A_101 : memref<8192x128xf32, #tpu.memory_space<hbm>>) dst(%dma_wait3A_95 : memref<128x128xf32, #tpu.memory_space<vmem>>)
    %dma_wait3A_102 = arith.constant 1 : i32
    %dma_wait3A_103 = arith.constant 1 : i32
    %dma_wait3A_104 = arith.constant 0 : i32
    %dma_wait3A_105 = arith.constant 0 : i32
    %dma_wait3A_106 = tpu.memref_slice %arg8[%dma_wait3A_103, %dma_wait3A_104, %dma_wait3A_105] : memref<4x128x128xf32, #tpu.memory_space<vmem>> -> memref<1x128x128xf32, #tpu.memory_space<vmem>>
    %dma_wait3A_107 = tpu.memref_squeeze %dma_wait3A_106 : memref<1x128x128xf32, #tpu.memory_space<vmem>> -> memref<128x128xf32, #tpu.memory_space<vmem>>
    %dma_wait3A_108 = arith.constant 0 : i32
    %dma_wait3A_109 = tpu.memref_slice %arg7[%dma_wait3A_102, %dma_wait3A_108] : memref<4x128xi32, #tpu.memory_space<vmem>> -> memref<1x128xi32, #tpu.memory_space<vmem>>
    %dma_wait3A_110 = tpu.memref_squeeze %dma_wait3A_109 : memref<1x128xi32, #tpu.memory_space<vmem>> -> memref<128xi32, #tpu.memory_space<vmem>>
    %dma_wait3A_111 = arith.constant 0 : i32
    %dma_wait3A_112 = arith.constant 0 : i32
    %dma_wait3A_113 = tpu.memref_slice %arg3[%dma_wait3A_111, %dma_wait3A_112] : memref<8192x128xf32, #tpu.memory_space<hbm>> -> memref<8192x128xf32, #tpu.memory_space<hbm>>
    tpu.wait_indirect_dma semaphore(%arg10 : memref<!tpu.dma_semaphore, #tpu.memory_space<semaphore_mem>>) src(%dma_wait3A_113 : memref<8192x128xf32, #tpu.memory_space<hbm>>) dst(%dma_wait3A_107 : memref<128x128xf32, #tpu.memory_space<vmem>>)
    %dma_wait3A_114 = arith.constant 2 : i32
    %dma_wait3A_115 = arith.constant 2 : i32
    %dma_wait3A_116 = arith.constant 0 : i32
    %dma_wait3A_117 = arith.constant 0 : i32
    %dma_wait3A_118 = tpu.memref_slice %arg8[%dma_wait3A_115, %dma_wait3A_116, %dma_wait3A_117] : memref<4x128x128xf32, #tpu.memory_space<vmem>> -> memref<1x128x128xf32, #tpu.memory_space<vmem>>
    %dma_wait3A_119 = tpu.memref_squeeze %dma_wait3A_118 : memref<1x128x128xf32, #tpu.memory_space<vmem>> -> memref<128x128xf32, #tpu.memory_space<vmem>>
    %dma_wait3A_120 = arith.constant 0 : i32
    %dma_wait3A_121 = tpu.memref_slice %arg7[%dma_wait3A_114, %dma_wait3A_120] : memref<4x128xi32, #tpu.memory_space<vmem>> -> memref<1x128xi32, #tpu.memory_space<vmem>>
    %dma_wait3A_122 = tpu.memref_squeeze %dma_wait3A_121 : memref<1x128xi32, #tpu.memory_space<vmem>> -> memref<128xi32, #tpu.memory_space<vmem>>
    %dma_wait3A_123 = arith.constant 0 : i32
    %dma_wait3A_124 = arith.constant 0 : i32
    %dma_wait3A_125 = tpu.memref_slice %arg3[%dma_wait3A_123, %dma_wait3A_124] : memref<8192x128xf32, #tpu.memory_space<hbm>> -> memref<8192x128xf32, #tpu.memory_space<hbm>>
    tpu.wait_indirect_dma semaphore(%arg10 : memref<!tpu.dma_semaphore, #tpu.memory_space<semaphore_mem>>) src(%dma_wait3A_125 : memref<8192x128xf32, #tpu.memory_space<hbm>>) dst(%dma_wait3A_119 : memref<128x128xf32, #tpu.memory_space<vmem>>)
    %dma_wait3A_126 = arith.constant 3 : i32
    %dma_wait3A_127 = arith.constant 3 : i32
    %dma_wait3A_128 = arith.constant 0 : i32
    %dma_wait3A_129 = arith.constant 0 : i32
    %dma_wait3A_130 = tpu.memref_slice %arg8[%dma_wait3A_127, %dma_wait3A_128, %dma_wait3A_129] : memref<4x128x128xf32, #tpu.memory_space<vmem>> -> memref<1x128x128xf32, #tpu.memory_space<vmem>>
    %dma_wait3A_131 = tpu.memref_squeeze %dma_wait3A_130 : memref<1x128x128xf32, #tpu.memory_space<vmem>> -> memref<128x128xf32, #tpu.memory_space<vmem>>
    %dma_wait3A_132 = arith.constant 0 : i32
    %dma_wait3A_133 = tpu.memref_slice %arg7[%dma_wait3A_126, %dma_wait3A_132] : memref<4x128xi32, #tpu.memory_space<vmem>> -> memref<1x128xi32, #tpu.memory_space<vmem>>
    %dma_wait3A_134 = tpu.memref_squeeze %dma_wait3A_133 : memref<1x128xi32, #tpu.memory_space<vmem>> -> memref<128xi32, #tpu.memory_space<vmem>>
    %dma_wait3A_135 = arith.constant 0 : i32
    %dma_wait3A_136 = arith.constant 0 : i32
    %dma_wait3A_137 = tpu.memref_slice %arg3[%dma_wait3A_135, %dma_wait3A_136] : memref<8192x128xf32, #tpu.memory_space<hbm>> -> memref<8192x128xf32, #tpu.memory_space<hbm>>
    tpu.wait_indirect_dma semaphore(%arg10 : memref<!tpu.dma_semaphore, #tpu.memory_space<semaphore_mem>>) src(%dma_wait3A_137 : memref<8192x128xf32, #tpu.memory_space<hbm>>) dst(%dma_wait3A_131 : memref<128x128xf32, #tpu.memory_space<vmem>>)
    "tpu.region"() ({
      %run_scoped3A = tpu.sem_alloc : memref<!tpu.dma_semaphore, #tpu.memory_space<semaphore_mem>>
      %dma_start3A_138 = arith.constant 0 : i32
      %dma_start3A_139 = arith.constant 0 : i32
      %dma_start3A_140 = tpu.memref_slice %arg4[%mul3A_2, %dma_start3A_138, %dma_start3A_139] : memref<128x128x128xf32, #tpu.memory_space<hbm>> -> memref<4x128x128xf32, #tpu.memory_space<hbm>>
      %dma_start3A_141 = arith.constant 0 : i32
      %dma_start3A_142 = arith.constant 0 : i32
      %dma_start3A_143 = tpu.memref_slice %arg4[%mul3A_2, %dma_start3A_141, %dma_start3A_142] : memref<128x128x128xf32, #tpu.memory_space<hbm>> -> memref<4x128x128xf32, #tpu.memory_space<hbm>>
      tpu.enqueue_dma source(%arg8 : memref<4x128x128xf32, #tpu.memory_space<vmem>>) target(%dma_start3A_143 : memref<4x128x128xf32, #tpu.memory_space<hbm>>) target_semaphore(%run_scoped3A : memref<!tpu.dma_semaphore, #tpu.memory_space<semaphore_mem>>)
      %dma_wait3A_144 = arith.constant 0 : i32
      %dma_wait3A_145 = arith.constant 0 : i32
      %dma_wait3A_146 = tpu.memref_slice %arg4[%mul3A_2, %dma_wait3A_144, %dma_wait3A_145] : memref<128x128x128xf32, #tpu.memory_space<hbm>> -> memref<4x128x128xf32, #tpu.memory_space<hbm>>
      %dma_wait3A_147 = arith.constant 0 : i32
      %dma_wait3A_148 = arith.constant 0 : i32
      %dma_wait3A_149 = tpu.memref_slice %arg4[%mul3A_2, %dma_wait3A_147, %dma_wait3A_148] : memref<128x128x128xf32, #tpu.memory_space<hbm>> -> memref<4x128x128xf32, #tpu.memory_space<hbm>>
      tpu.wait_dma2 semaphore(%run_scoped3A : memref<!tpu.dma_semaphore, #tpu.memory_space<semaphore_mem>>) src(%arg8 : memref<4x128x128xf32, #tpu.memory_space<vmem>>) dst(%dma_wait3A_149 : memref<4x128x128xf32, #tpu.memory_space<hbm>>)
      tpu.yield
    }) : () -> ()
    "tpu.region"() ({
      %run_scoped3A = tpu.sem_alloc : memref<!tpu.dma_semaphore, #tpu.memory_space<semaphore_mem>>
      %dma_start3A_138 = tpu.memref_slice %arg5[%mul3A_4] : memref<8192xf32, #tpu.memory_space<hbm>> -> memref<256xf32, #tpu.memory_space<hbm>>
      %dma_start3A_139 = tpu.memref_slice %arg5[%mul3A_4] : memref<8192xf32, #tpu.memory_space<hbm>> -> memref<256xf32, #tpu.memory_space<hbm>>
      tpu.enqueue_dma source(%arg9 : memref<256xf32, #tpu.memory_space<vmem>>) target(%dma_start3A_139 : memref<256xf32, #tpu.memory_space<hbm>>) target_semaphore(%run_scoped3A : memref<!tpu.dma_semaphore, #tpu.memory_space<semaphore_mem>>)
      %dma_wait3A_140 = tpu.memref_slice %arg5[%mul3A_4] : memref<8192xf32, #tpu.memory_space<hbm>> -> memref<256xf32, #tpu.memory_space<hbm>>
      %dma_wait3A_141 = tpu.memref_slice %arg5[%mul3A_4] : memref<8192xf32, #tpu.memory_space<hbm>> -> memref<256xf32, #tpu.memory_space<hbm>>
      tpu.wait_dma2 semaphore(%run_scoped3A : memref<!tpu.dma_semaphore, #tpu.memory_space<semaphore_mem>>) src(%arg9 : memref<256xf32, #tpu.memory_space<vmem>>) dst(%dma_wait3A_141 : memref<256xf32, #tpu.memory_space<hbm>>)
      tpu.yield
    }) : () -> ()
    return
  }
}

module attributes {stable_mosaic.version = 14 : i64} {
  func.func @_dist_body(%arg0: i32, %arg1: i32, %arg2: memref<1x64x256xf32, #tpu.memory_space<vmem>>, %arg3: memref<8192x64xf32, #tpu.memory_space<vmem>>, %arg4: memref<1x8192xf32, #tpu.memory_space<vmem>>, %arg5: memref<1x1x256xi32, #tpu.memory_space<vmem>>) attributes {dimension_semantics = [#tpu.dimension_semantics<arbitrary>, #tpu.dimension_semantics<arbitrary>], iteration_bounds = array<i64: 16, 4>, scalar_prefetch = 0 : i64, scratch_operands = 0 : i64, tpu.core_type = #tpu.core_type<tc>, window_params = [{transform_indices = @transform_0, window_bounds = array<i64: 1, 64, 256>}, {pipeline_mode = #tpu.pipeline_mode<synchronous>, transform_indices = @transform_1, window_bounds = array<i64: 8192, 64>}, {pipeline_mode = #tpu.pipeline_mode<synchronous>, transform_indices = @transform_2, window_bounds = array<i64: 1, 8192>}, {transform_indices = @transform_3, window_bounds = array<i64: 1, 1, 256>}]} {
    %get3A = arith.constant 0 : index
    %get3A_0 = arith.constant 0 : index
    %get3A_1 = arith.constant 0 : index
    %get3A_2 = vector.load %arg2[%get3A, %get3A_0, %get3A_1] : memref<1x64x256xf32, #tpu.memory_space<vmem>>, vector<1x64x256xf32>
    %get3A_3 = vector.shape_cast %get3A_2 : vector<1x64x256xf32> to vector<64x256xf32>
    %transpose3A = tpu.transpose %get3A_3, [1, 0] : vector<64x256xf32> -> vector<256x64xf32>
    %get3A_4 = arith.constant 0 : index
    %get3A_5 = arith.constant 0 : index
    %get3A_6 = vector.load %arg3[%get3A_4, %get3A_5] : memref<8192x64xf32, #tpu.memory_space<vmem>>, vector<8192x64xf32>
    %dot_general3A = arith.constant dense<0.000000e+00> : vector<256x8192xf32>
    %dot_general3A_7 = tpu.matmul %transpose3A, %get3A_6, %dot_general3A {dimension_numbers = #tpu.dot_dimension_numbers<[1], [1], [0], [0], [0, 0, 1, 0], [], []>, transpose_lhs_hint = false} : vector<256x64xf32>, vector<8192x64xf32>, vector<256x8192xf32> -> vector<256x8192xf32>
    %mul3A = arith.mulf %transpose3A, %transpose3A : vector<256x64xf32>
    %reduce_sum3A = arith.constant dense<0.000000e+00> : vector<256xf32>
    %reduce_sum3A_8 = vector.multi_reduction <add>, %mul3A, %reduce_sum3A [1] : vector<256x64xf32> to vector<256xf32>
    %broadcast_in_dim3A = vector.shape_cast %reduce_sum3A_8 : vector<256xf32> to vector<256x1xf32>
    %get3A_9 = arith.constant 0 : index
    %get3A_10 = arith.constant 0 : index
    %get3A_11 = vector.load %arg4[%get3A_9, %get3A_10] : memref<1x8192xf32, #tpu.memory_space<vmem>>, vector<1x8192xf32>
    %add3A = vector.broadcast %broadcast_in_dim3A : vector<256x1xf32> to vector<256x8192xf32>
    %add3A_12 = vector.broadcast %get3A_11 : vector<1x8192xf32> to vector<256x8192xf32>
    %add3A_13 = arith.addf %add3A, %add3A_12 : vector<256x8192xf32>
    %mul3A_14 = arith.constant 2.000000e+00 : f32
    %mul3A_15 = vector.broadcast %mul3A_14 : f32 to vector<256x8192xf32>
    %mul3A_16 = arith.mulf %mul3A_15, %dot_general3A_7 : vector<256x8192xf32>
    %sub3A = arith.subf %add3A_13, %mul3A_16 : vector<256x8192xf32>
    %reduce_min3A = arith.constant dense<0x7F800000> : vector<256xf32>
    %reduce_min3A_17 = vector.multi_reduction <minimumf>, %sub3A, %reduce_min3A [1] : vector<256x8192xf32> to vector<256xf32>
    %broadcast_in_dim3A_18 = vector.shape_cast %reduce_min3A_17 : vector<256xf32> to vector<256x1xf32>
    %iota3A = tpu.iota {dimensions = array<i32: 1>} : vector<256x8192xi32>
    %eq3A = vector.broadcast %broadcast_in_dim3A_18 : vector<256x1xf32> to vector<256x8192xf32>
    %eq3A_19 = arith.cmpf oeq, %sub3A, %eq3A : vector<256x8192xf32>
    %jit3A = arith.constant 8192 : i32
    %broadcast_in_dim3A_20 = vector.broadcast %jit3A : i32 to vector<256x8192xi32>
    %select_n3A = arith.select %eq3A_19, %iota3A, %broadcast_in_dim3A_20 : vector<256x8192xi1>, vector<256x8192xi32>
    %reduce_min3A_21 = arith.constant dense<2147483647> : vector<256xi32>
    %reduce_min3A_22 = vector.multi_reduction <minsi>, %select_n3A, %reduce_min3A_21 [1] : vector<256x8192xi32> to vector<256xi32>
    %reshape3A = vector.shape_cast %reduce_min3A_22 : vector<256xi32> to vector<1x1x256xi32>
    %swap3A = arith.constant 0 : index
    %swap3A_23 = arith.constant 0 : index
    %swap3A_24 = arith.constant 0 : index
    %swap3A_25 = vector.load %arg5[%swap3A, %swap3A_23, %swap3A_24] : memref<1x1x256xi32, #tpu.memory_space<vmem>>, vector<1x1x256xi32>
    tpu.vector_store %arg5[%swap3A, %swap3A_23, %swap3A_24], %reshape3A {strides = array<i32>} : memref<1x1x256xi32, #tpu.memory_space<vmem>>, vector<1x1x256xi32>,
    return
  }
  func.func @transform_0(%arg0: i32, %arg1: i32) -> (i32, i32, i32) {
    %add3A = arith.constant 0 : i32
    %add3A_0 = arith.addi %arg0, %add3A : i32
    %c0_i32 = arith.constant 0 : i32
    %c0_i32_1 = arith.constant 0 : i32
    return %add3A_0, %c0_i32, %arg1 : i32, i32, i32
  }
  func.func @transform_1(%arg0: i32, %arg1: i32) -> (i32, i32) {
    %c0_i32 = arith.constant 0 : i32
    %c0_i32_0 = arith.constant 0 : i32
    %c0_i32_1 = arith.constant 0 : i32
    return %c0_i32, %c0_i32_0 : i32, i32
  }
  func.func @transform_2(%arg0: i32, %arg1: i32) -> (i32, i32) {
    %c0_i32 = arith.constant 0 : i32
    %c0_i32_0 = arith.constant 0 : i32
    %c0_i32_1 = arith.constant 0 : i32
    return %c0_i32, %c0_i32_0 : i32, i32
  }
  func.func @transform_3(%arg0: i32, %arg1: i32) -> (i32, i32, i32) {
    %mul3A = arith.constant 4 : i32
    %mul3A_0 = arith.muli %arg0, %mul3A : i32
    %add3A = arith.addi %mul3A_0, %arg1 : i32
    %c0_i32 = arith.constant 0 : i32
    %c0_i32_1 = arith.constant 0 : i32
    %c0_i32_2 = arith.constant 0 : i32
    return %add3A, %c0_i32, %c0_i32_1 : i32, i32, i32
  }
}

module attributes {stable_mosaic.version = 14 : i64} {
  func.func @_dist_body(%arg0: i32, %arg1: i32, %arg2: memref<1x64x256xf32, #tpu.memory_space<vmem>>, %arg3: memref<8192x64xf32, #tpu.memory_space<vmem>>, %arg4: memref<1x8192xf32, #tpu.memory_space<vmem>>, %arg5: memref<1x1x256xi32, #tpu.memory_space<vmem>>) attributes {dimension_semantics = [#tpu.dimension_semantics<arbitrary>, #tpu.dimension_semantics<arbitrary>], iteration_bounds = array<i64: 16, 4>, scalar_prefetch = 0 : i64, scratch_operands = 0 : i64, tpu.core_type = #tpu.core_type<tc>, window_params = [{transform_indices = @transform_0, window_bounds = array<i64: 1, 64, 256>}, {pipeline_mode = #tpu.pipeline_mode<synchronous>, transform_indices = @transform_1, window_bounds = array<i64: 8192, 64>}, {pipeline_mode = #tpu.pipeline_mode<synchronous>, transform_indices = @transform_2, window_bounds = array<i64: 1, 8192>}, {transform_indices = @transform_3, window_bounds = array<i64: 1, 1, 256>}]} {
    %get3A = arith.constant 0 : index
    %get3A_0 = arith.constant 0 : index
    %get3A_1 = arith.constant 0 : index
    %get3A_2 = vector.load %arg2[%get3A, %get3A_0, %get3A_1] : memref<1x64x256xf32, #tpu.memory_space<vmem>>, vector<1x64x256xf32>
    %get3A_3 = vector.shape_cast %get3A_2 : vector<1x64x256xf32> to vector<64x256xf32>
    %transpose3A = tpu.transpose %get3A_3, [1, 0] : vector<64x256xf32> -> vector<256x64xf32>
    %get3A_4 = arith.constant 0 : index
    %get3A_5 = arith.constant 0 : index
    %get3A_6 = vector.load %arg3[%get3A_4, %get3A_5] : memref<8192x64xf32, #tpu.memory_space<vmem>>, vector<8192x64xf32>
    %dot_general3A = arith.constant dense<0.000000e+00> : vector<256x8192xf32>
    %dot_general3A_7 = tpu.matmul %transpose3A, %get3A_6, %dot_general3A {dimension_numbers = #tpu.dot_dimension_numbers<[1], [1], [0], [0], [0, 0, 1, 0], [], []>, transpose_lhs_hint = false} : vector<256x64xf32>, vector<8192x64xf32>, vector<256x8192xf32> -> vector<256x8192xf32>
    %mul3A = arith.mulf %transpose3A, %transpose3A : vector<256x64xf32>
    %reduce_sum3A = arith.constant dense<0.000000e+00> : vector<256xf32>
    %reduce_sum3A_8 = vector.multi_reduction <add>, %mul3A, %reduce_sum3A [1] : vector<256x64xf32> to vector<256xf32>
    %broadcast_in_dim3A = vector.shape_cast %reduce_sum3A_8 : vector<256xf32> to vector<256x1xf32>
    %get3A_9 = arith.constant 0 : index
    %get3A_10 = arith.constant 0 : index
    %get3A_11 = vector.load %arg4[%get3A_9, %get3A_10] : memref<1x8192xf32, #tpu.memory_space<vmem>>, vector<1x8192xf32>
    %add3A = vector.broadcast %broadcast_in_dim3A : vector<256x1xf32> to vector<256x8192xf32>
    %add3A_12 = vector.broadcast %get3A_11 : vector<1x8192xf32> to vector<256x8192xf32>
    %add3A_13 = arith.addf %add3A, %add3A_12 : vector<256x8192xf32>
    %mul3A_14 = arith.constant 2.000000e+00 : f32
    %mul3A_15 = vector.broadcast %mul3A_14 : f32 to vector<256x8192xf32>
    %mul3A_16 = arith.mulf %mul3A_15, %dot_general3A_7 : vector<256x8192xf32>
    %sub3A = arith.subf %add3A_13, %mul3A_16 : vector<256x8192xf32>
    %reduce_min3A = arith.constant dense<0x7F800000> : vector<256xf32>
    %reduce_min3A_17 = vector.multi_reduction <minimumf>, %sub3A, %reduce_min3A [1] : vector<256x8192xf32> to vector<256xf32>
    %broadcast_in_dim3A_18 = vector.shape_cast %reduce_min3A_17 : vector<256xf32> to vector<256x1xf32>
    %iota3A = tpu.iota {dimensions = array<i32: 1>} : vector<256x8192xi32>
    %eq3A = vector.broadcast %broadcast_in_dim3A_18 : vector<256x1xf32> to vector<256x8192xf32>
    %eq3A_19 = arith.cmpf oeq, %sub3A, %eq3A : vector<256x8192xf32>
    %jit3A = arith.constant 8192 : i32
    %broadcast_in_dim3A_20 = vector.broadcast %jit3A : i32 to vector<256x8192xi32>
    %select_n3A = arith.select %eq3A_19, %iota3A, %broadcast_in_dim3A_20 : vector<256x8192xi1>, vector<256x8192xi32>
    %reduce_min3A_21 = arith.constant dense<2147483647> : vector<256xi32>
    %reduce_min3A_22 = vector.multi_reduction <minsi>, %select_n3A, %reduce_min3A_21 [1] : vector<256x8192xi32> to vector<256xi32>
    %reshape3A = vector.shape_cast %reduce_min3A_22 : vector<256xi32> to vector<1x1x256xi32>
    %swap3A = arith.constant 0 : index
    %swap3A_23 = arith.constant 0 : index
    %swap3A_24 = arith.constant 0 : index
    %swap3A_25 = vector.load %arg5[%swap3A, %swap3A_23, %swap3A_24] : memref<1x1x256xi32, #tpu.memory_space<vmem>>, vector<1x1x256xi32>
    tpu.vector_store %arg5[%swap3A, %swap3A_23, %swap3A_24], %reshape3A {strides = array<i32>} : memref<1x1x256xi32, #tpu.memory_space<vmem>>, vector<1x1x256xi32>,
    return
  }
  func.func @transform_0(%arg0: i32, %arg1: i32) -> (i32, i32, i32) {
    %add3A = arith.constant 16 : i32
    %add3A_0 = arith.addi %arg0, %add3A : i32
    %c0_i32 = arith.constant 0 : i32
    %c0_i32_1 = arith.constant 0 : i32
    return %add3A_0, %c0_i32, %arg1 : i32, i32, i32
  }
  func.func @transform_1(%arg0: i32, %arg1: i32) -> (i32, i32) {
    %c0_i32 = arith.constant 0 : i32
    %c0_i32_0 = arith.constant 0 : i32
    %c0_i32_1 = arith.constant 0 : i32
    return %c0_i32, %c0_i32_0 : i32, i32
  }
  func.func @transform_2(%arg0: i32, %arg1: i32) -> (i32, i32) {
    %c0_i32 = arith.constant 0 : i32
    %c0_i32_0 = arith.constant 0 : i32
    %c0_i32_1 = arith.constant 0 : i32
    return %c0_i32, %c0_i32_0 : i32, i32
  }
  func.func @transform_3(%arg0: i32, %arg1: i32) -> (i32, i32, i32) {
    %mul3A = arith.constant 4 : i32
    %mul3A_0 = arith.muli %arg0, %mul3A : i32
    %add3A = arith.addi %mul3A_0, %arg1 : i32
    %c0_i32 = arith.constant 0 : i32
    %c0_i32_1 = arith.constant 0 : i32
    %c0_i32_2 = arith.constant 0 : i32
    return %add3A, %c0_i32, %c0_i32_1 : i32, i32, i32
  }
}

module attributes {stable_mosaic.version = 14 : i64} {
  func.func @_conv0_body(%arg0: i32, %arg1: memref<1x1024x128xf32, #tpu.memory_space<vmem>>, %arg2: memref<1x64x1024xf32, #tpu.memory_space<vmem>>, %arg3: memref<3x3x64x64xf32, #tpu.memory_space<vmem>>, %arg4: memref<1x64xf32, #tpu.memory_space<vmem>>, %arg5: memref<1x64x1024xf32, #tpu.memory_space<vmem>>, %arg6: memref<1x1xf32, #tpu.memory_space<vmem>>) attributes {dimension_semantics = [#tpu.dimension_semantics<arbitrary>], iteration_bounds = array<i64: 16>, scalar_prefetch = 0 : i64, scratch_operands = 0 : i64, tpu.core_type = #tpu.core_type<tc>, window_params = [{transform_indices = @transform_0, window_bounds = array<i64: 1, 1024, 128>}, {transform_indices = @transform_1, window_bounds = array<i64: 1, 64, 1024>}, {pipeline_mode = #tpu.pipeline_mode<synchronous>, transform_indices = @transform_2, window_bounds = array<i64: 3, 3, 64, 64>}, {pipeline_mode = #tpu.pipeline_mode<synchronous>, transform_indices = @transform_3, window_bounds = array<i64: 1, 64>}, {transform_indices = @transform_4, window_bounds = array<i64: 1, 64, 1024>}, {pipeline_mode = #tpu.pipeline_mode<synchronous>, transform_indices = @transform_5, window_bounds = array<i64: 1, 1>}]} {
    %get3A = arith.constant 0 : index
    %get3A_0 = arith.constant 0 : index
    %get3A_1 = arith.constant 0 : index
    %get3A_2 = vector.load %arg1[%get3A, %get3A_0, %get3A_1] : memref<1x1024x128xf32, #tpu.memory_space<vmem>>, vector<1x1024x64xf32>
    %get3A_3 = vector.shape_cast %get3A_2 : vector<1x1024x64xf32> to vector<1024x64xf32>
    %iota3A = tpu.iota {dimensions = array<i32: 0>} : vector<1024x64xi32>
    %jit3A = arith.constant 32 : i32
    %eq3A = arith.constant 0 : i32
    %eq3A_4 = arith.cmpi eq, %jit3A, %eq3A : i32
    %jit3A_5 = arith.constant 1 : i32
    %select_n3A = arith.select %eq3A_4, %jit3A_5, %jit3A : i32
    %rem3A = vector.broadcast %select_n3A : i32 to vector<1024x64xi32>
    %rem3A_6 = arith.remsi %iota3A, %rem3A : vector<1024x64xi32>
    %ne3A = arith.constant 0 : i32
    %ne3A_7 = vector.broadcast %ne3A : i32 to vector<1024x64xi32>
    %ne3A_8 = arith.cmpi ne, %rem3A_6, %ne3A_7 : vector<1024x64xi32>
    %lt3A = arith.constant 0 : i32
    %lt3A_9 = vector.broadcast %lt3A : i32 to vector<1024x64xi32>
    %lt3A_10 = arith.cmpi slt, %rem3A_6, %lt3A_9 : vector<1024x64xi32>
    %lt3A_11 = arith.constant 0 : i32
    %lt3A_12 = arith.cmpi slt, %select_n3A, %lt3A_11 : i32
    %ne3A_13 = vector.broadcast %lt3A_12 : i1 to vector<1024x64xi1>
    %ne3A_14 = vector.broadcast %ne3A_13 : vector<1024x64xi1> to vector<1024x64xi1>
    %ne3A_15 = arith.xori %lt3A_10, %ne3A_14 : vector<1024x64xi1>
    %and3A = arith.andi %ne3A_15, %ne3A_8 : vector<1024x64xi1>
    %add3A = vector.broadcast %select_n3A : i32 to vector<1024x64xi32>
    %add3A_16 = arith.addi %rem3A_6, %add3A : vector<1024x64xi32>
    %select_n3A_17 = arith.select %and3A, %add3A_16, %rem3A_6 : vector<1024x64xi1>, vector<1024x64xi32>
    %broadcast_in_dim3A = arith.constant 0.000000e+00 : f32
    %broadcast_in_dim3A_18 = vector.broadcast %broadcast_in_dim3A : f32 to vector<1024x64xf32>
    %broadcast_in_dim3A_19 = arith.constant 0.000000e+00 : f32
    %broadcast_in_dim3A_20 = vector.broadcast %broadcast_in_dim3A_19 : f32 to vector<33x64xf32>
    %slice3A = vector.extract_strided_slice %get3A_3 {offsets = [0, 0], sizes = [991, 64], strides = [1, 1]} : vector<1024x64xf32> to vector<991x64xf32>
    %concatenate3A = tpu.concatenate %broadcast_in_dim3A_20, %slice3A in 0 : vector<33x64xf32>, vector<991x64xf32> -> vector<1024x64xf32>
    %eq3A_21 = arith.constant 0 : i32
    %eq3A_22 = vector.broadcast %eq3A_21 : i32 to vector<1024x64xi32>
    %eq3A_23 = arith.cmpi eq, %select_n3A_17, %eq3A_22 : vector<1024x64xi32>
    %jit3A_24 = arith.constant 0.000000e+00 : f32
    %broadcast_in_dim3A_25 = vector.broadcast %jit3A_24 : f32 to vector<1024x64xf32>
    %select_n3A_26 = arith.select %eq3A_23, %broadcast_in_dim3A_25, %concatenate3A : vector<1024x64xi1>, vector<1024x64xf32>
    %get3A_27 = arith.constant 0 : index
    %get3A_28 = arith.constant 0 : index
    %get3A_29 = arith.constant 0 : index
    %get3A_30 = arith.constant 0 : index
    %get3A_31 = vector.load %arg3[%get3A_27, %get3A_28, %get3A_29, %get3A_30] : memref<3x3x64x64xf32, #tpu.memory_space<vmem>>, vector<1x1x64x64xf32>
    %get3A_32 = vector.shape_cast %get3A_31 : vector<1x1x64x64xf32> to vector<64x64xf32>
    %dot_general3A = arith.constant dense<0.000000e+00> : vector<1024x64xf32>
    %dot_general3A_33 = tpu.matmul %select_n3A_26, %get3A_32, %dot_general3A {dimension_numbers = #tpu.dot_dimension_numbers<[1], [0], [0], [1], [0, 0, 1, 1], [], []>, transpose_lhs_hint = false} : vector<1024x64xf32>, vector<64x64xf32>, vector<1024x64xf32> -> vector<1024x64xf32>
    %add3A_34 = arith.addf %broadcast_in_dim3A_18, %dot_general3A_33 : vector<1024x64xf32>
    %broadcast_in_dim3A_35 = arith.constant 0.000000e+00 : f32
    %broadcast_in_dim3A_36 = vector.broadcast %broadcast_in_dim3A_35 : f32 to vector<32x64xf32>
    %slice3A_37 = vector.extract_strided_slice %get3A_3 {offsets = [0, 0], sizes = [992, 64], strides = [1, 1]} : vector<1024x64xf32> to vector<992x64xf32>
    %concatenate3A_38 = tpu.concatenate %broadcast_in_dim3A_36, %slice3A_37 in 0 : vector<32x64xf32>, vector<992x64xf32> -> vector<1024x64xf32>
    %get3A_39 = arith.constant 0 : index
    %get3A_40 = arith.constant 1 : index
    %get3A_41 = arith.constant 0 : index
    %get3A_42 = arith.constant 0 : index
    %get3A_43 = vector.load %arg3[%get3A_39, %get3A_40, %get3A_41, %get3A_42] : memref<3x3x64x64xf32, #tpu.memory_space<vmem>>, vector<1x1x64x64xf32>
    %get3A_44 = vector.shape_cast %get3A_43 : vector<1x1x64x64xf32> to vector<64x64xf32>
    %dot_general3A_45 = arith.constant dense<0.000000e+00> : vector<1024x64xf32>
    %dot_general3A_46 = tpu.matmul %concatenate3A_38, %get3A_44, %dot_general3A_45 {dimension_numbers = #tpu.dot_dimension_numbers<[1], [0], [0], [1], [0, 0, 1, 1], [], []>, transpose_lhs_hint = false} : vector<1024x64xf32>, vector<64x64xf32>, vector<1024x64xf32> -> vector<1024x64xf32>
    %add3A_47 = arith.addf %add3A_34, %dot_general3A_46 : vector<1024x64xf32>
    %broadcast_in_dim3A_48 = arith.constant 0.000000e+00 : f32
    %broadcast_in_dim3A_49 = vector.broadcast %broadcast_in_dim3A_48 : f32 to vector<31x64xf32>
    %slice3A_50 = vector.extract_strided_slice %get3A_3 {offsets = [0, 0], sizes = [993, 64], strides = [1, 1]} : vector<1024x64xf32> to vector<993x64xf32>
    %concatenate3A_51 = tpu.concatenate %broadcast_in_dim3A_49, %slice3A_50 in 0 : vector<31x64xf32>, vector<993x64xf32> -> vector<1024x64xf32>
    %eq3A_52 = arith.constant 31 : i32
    %eq3A_53 = vector.broadcast %eq3A_52 : i32 to vector<1024x64xi32>
    %eq3A_54 = arith.cmpi eq, %select_n3A_17, %eq3A_53 : vector<1024x64xi32>
    %jit3A_55 = arith.constant 0.000000e+00 : f32
    %broadcast_in_dim3A_56 = vector.broadcast %jit3A_55 : f32 to vector<1024x64xf32>
    %select_n3A_57 = arith.select %eq3A_54, %broadcast_in_dim3A_56, %concatenate3A_51 : vector<1024x64xi1>, vector<1024x64xf32>
    %get3A_58 = arith.constant 0 : index
    %get3A_59 = arith.constant 2 : index
    %get3A_60 = arith.constant 0 : index
    %get3A_61 = arith.constant 0 : index
    %get3A_62 = vector.load %arg3[%get3A_58, %get3A_59, %get3A_60, %get3A_61] : memref<3x3x64x64xf32, #tpu.memory_space<vmem>>, vector<1x1x64x64xf32>
    %get3A_63 = vector.shape_cast %get3A_62 : vector<1x1x64x64xf32> to vector<64x64xf32>
    %dot_general3A_64 = arith.constant dense<0.000000e+00> : vector<1024x64xf32>
    %dot_general3A_65 = tpu.matmul %select_n3A_57, %get3A_63, %dot_general3A_64 {dimension_numbers = #tpu.dot_dimension_numbers<[1], [0], [0], [1], [0, 0, 1, 1], [], []>, transpose_lhs_hint = false} : vector<1024x64xf32>, vector<64x64xf32>, vector<1024x64xf32> -> vector<1024x64xf32>
    %add3A_66 = arith.addf %add3A_47, %dot_general3A_65 : vector<1024x64xf32>
    %broadcast_in_dim3A_67 = arith.constant 0.000000e+00 : f32
    %broadcast_in_dim3A_68 = vector.broadcast %broadcast_in_dim3A_67 : f32 to vector<1x64xf32>
    %slice3A_69 = vector.extract_strided_slice %get3A_3 {offsets = [0, 0], sizes = [1023, 64], strides = [1, 1]} : vector<1024x64xf32> to vector<1023x64xf32>
    %concatenate3A_70 = tpu.concatenate %broadcast_in_dim3A_68, %slice3A_69 in 0 : vector<1x64xf32>, vector<1023x64xf32> -> vector<1024x64xf32>
    %eq3A_71 = arith.constant 0 : i32
    %eq3A_72 = vector.broadcast %eq3A_71 : i32 to vector<1024x64xi32>
    %eq3A_73 = arith.cmpi eq, %select_n3A_17, %eq3A_72 : vector<1024x64xi32>
    %jit3A_74 = arith.constant 0.000000e+00 : f32
    %broadcast_in_dim3A_75 = vector.broadcast %jit3A_74 : f32 to vector<1024x64xf32>
    %select_n3A_76 = arith.select %eq3A_73, %broadcast_in_dim3A_75, %concatenate3A_70 : vector<1024x64xi1>, vector<1024x64xf32>
    %get3A_77 = arith.constant 1 : index
    %get3A_78 = arith.constant 0 : index
    %get3A_79 = arith.constant 0 : index
    %get3A_80 = arith.constant 0 : index
    %get3A_81 = vector.load %arg3[%get3A_77, %get3A_78, %get3A_79, %get3A_80] : memref<3x3x64x64xf32, #tpu.memory_space<vmem>>, vector<1x1x64x64xf32>
    %get3A_82 = vector.shape_cast %get3A_81 : vector<1x1x64x64xf32> to vector<64x64xf32>
    %dot_general3A_83 = arith.constant dense<0.000000e+00> : vector<1024x64xf32>
    %dot_general3A_84 = tpu.matmul %select_n3A_76, %get3A_82, %dot_general3A_83 {dimension_numbers = #tpu.dot_dimension_numbers<[1], [0], [0], [1], [0, 0, 1, 1], [], []>, transpose_lhs_hint = false} : vector<1024x64xf32>, vector<64x64xf32>, vector<1024x64xf32> -> vector<1024x64xf32>
    %add3A_85 = arith.addf %add3A_66, %dot_general3A_84 : vector<1024x64xf32>
    %get3A_86 = arith.constant 1 : index
    %get3A_87 = arith.constant 1 : index
    %get3A_88 = arith.constant 0 : index
    %get3A_89 = arith.constant 0 : index
    %get3A_90 = vector.load %arg3[%get3A_86, %get3A_87, %get3A_88, %get3A_89] : memref<3x3x64x64xf32, #tpu.memory_space<vmem>>, vector<1x1x64x64xf32>
    %get3A_91 = vector.shape_cast %get3A_90 : vector<1x1x64x64xf32> to vector<64x64xf32>
    %dot_general3A_92 = arith.constant dense<0.000000e+00> : vector<1024x64xf32>
    %dot_general3A_93 = tpu.matmul %get3A_3, %get3A_91, %dot_general3A_92 {dimension_numbers = #tpu.dot_dimension_numbers<[1], [0], [0], [1], [0, 0, 1, 1], [], []>, transpose_lhs_hint = false} : vector<1024x64xf32>, vector<64x64xf32>, vector<1024x64xf32> -> vector<1024x64xf32>
    %add3A_94 = arith.addf %add3A_85, %dot_general3A_93 : vector<1024x64xf32>
    %slice3A_95 = vector.extract_strided_slice %get3A_3 {offsets = [1, 0], sizes = [1023, 64], strides = [1, 1]} : vector<1024x64xf32> to vector<1023x64xf32>
    %broadcast_in_dim3A_96 = arith.constant 0.000000e+00 : f32
    %broadcast_in_dim3A_97 = vector.broadcast %broadcast_in_dim3A_96 : f32 to vector<1x64xf32>
    %concatenate3A_98 = tpu.concatenate %slice3A_95, %broadcast_in_dim3A_97 in 0 : vector<1023x64xf32>, vector<1x64xf32> -> vector<1024x64xf32>
    %eq3A_99 = arith.constant 31 : i32
    %eq3A_100 = vector.broadcast %eq3A_99 : i32 to vector<1024x64xi32>
    %eq3A_101 = arith.cmpi eq, %select_n3A_17, %eq3A_100 : vector<1024x64xi32>
    %jit3A_102 = arith.constant 0.000000e+00 : f32
    %broadcast_in_dim3A_103 = vector.broadcast %jit3A_102 : f32 to vector<1024x64xf32>
    %select_n3A_104 = arith.select %eq3A_101, %broadcast_in_dim3A_103, %concatenate3A_98 : vector<1024x64xi1>, vector<1024x64xf32>
    %get3A_105 = arith.constant 1 : index
    %get3A_106 = arith.constant 2 : index
    %get3A_107 = arith.constant 0 : index
    %get3A_108 = arith.constant 0 : index
    %get3A_109 = vector.load %arg3[%get3A_105, %get3A_106, %get3A_107, %get3A_108] : memref<3x3x64x64xf32, #tpu.memory_space<vmem>>, vector<1x1x64x64xf32>
    %get3A_110 = vector.shape_cast %get3A_109 : vector<1x1x64x64xf32> to vector<64x64xf32>
    %dot_general3A_111 = arith.constant dense<0.000000e+00> : vector<1024x64xf32>
    %dot_general3A_112 = tpu.matmul %select_n3A_104, %get3A_110, %dot_general3A_111 {dimension_numbers = #tpu.dot_dimension_numbers<[1], [0], [0], [1], [0, 0, 1, 1], [], []>, transpose_lhs_hint = false} : vector<1024x64xf32>, vector<64x64xf32>, vector<1024x64xf32> -> vector<1024x64xf32>
    %add3A_113 = arith.addf %add3A_94, %dot_general3A_112 : vector<1024x64xf32>
    %slice3A_114 = vector.extract_strided_slice %get3A_3 {offsets = [31, 0], sizes = [993, 64], strides = [1, 1]} : vector<1024x64xf32> to vector<993x64xf32>
    %broadcast_in_dim3A_115 = arith.constant 0.000000e+00 : f32
    %broadcast_in_dim3A_116 = vector.broadcast %broadcast_in_dim3A_115 : f32 to vector<31x64xf32>
    %concatenate3A_117 = tpu.concatenate %slice3A_114, %broadcast_in_dim3A_116 in 0 : vector<993x64xf32>, vector<31x64xf32> -> vector<1024x64xf32>
    %eq3A_118 = arith.constant 0 : i32
    %eq3A_119 = vector.broadcast %eq3A_118 : i32 to vector<1024x64xi32>
    %eq3A_120 = arith.cmpi eq, %select_n3A_17, %eq3A_119 : vector<1024x64xi32>
    %jit3A_121 = arith.constant 0.000000e+00 : f32
    %broadcast_in_dim3A_122 = vector.broadcast %jit3A_121 : f32 to vector<1024x64xf32>
    %select_n3A_123 = arith.select %eq3A_120, %broadcast_in_dim3A_122, %concatenate3A_117 : vector<1024x64xi1>, vector<1024x64xf32>
    %get3A_124 = arith.constant 2 : index
    %get3A_125 = arith.constant 0 : index
    %get3A_126 = arith.constant 0 : index
    %get3A_127 = arith.constant 0 : index
    %get3A_128 = vector.load %arg3[%get3A_124, %get3A_125, %get3A_126, %get3A_127] : memref<3x3x64x64xf32, #tpu.memory_space<vmem>>, vector<1x1x64x64xf32>
    %get3A_129 = vector.shape_cast %get3A_128 : vector<1x1x64x64xf32> to vector<64x64xf32>
    %dot_general3A_130 = arith.constant dense<0.000000e+00> : vector<1024x64xf32>
    %dot_general3A_131 = tpu.matmul %select_n3A_123, %get3A_129, %dot_general3A_130 {dimension_numbers = #tpu.dot_dimension_numbers<[1], [0], [0], [1], [0, 0, 1, 1], [], []>, transpose_lhs_hint = false} : vector<1024x64xf32>, vector<64x64xf32>, vector<1024x64xf32> -> vector<1024x64xf32>
    %add3A_132 = arith.addf %add3A_113, %dot_general3A_131 : vector<1024x64xf32>
    %slice3A_133 = vector.extract_strided_slice %get3A_3 {offsets = [32, 0], sizes = [992, 64], strides = [1, 1]} : vector<1024x64xf32> to vector<992x64xf32>
    %broadcast_in_dim3A_134 = arith.constant 0.000000e+00 : f32
    %broadcast_in_dim3A_135 = vector.broadcast %broadcast_in_dim3A_134 : f32 to vector<32x64xf32>
    %concatenate3A_136 = tpu.concatenate %slice3A_133, %broadcast_in_dim3A_135 in 0 : vector<992x64xf32>, vector<32x64xf32> -> vector<1024x64xf32>
    %get3A_137 = arith.constant 2 : index
    %get3A_138 = arith.constant 1 : index
    %get3A_139 = arith.constant 0 : index
    %get3A_140 = arith.constant 0 : index
    %get3A_141 = vector.load %arg3[%get3A_137, %get3A_138, %get3A_139, %get3A_140] : memref<3x3x64x64xf32, #tpu.memory_space<vmem>>, vector<1x1x64x64xf32>
    %get3A_142 = vector.shape_cast %get3A_141 : vector<1x1x64x64xf32> to vector<64x64xf32>
    %dot_general3A_143 = arith.constant dense<0.000000e+00> : vector<1024x64xf32>
    %dot_general3A_144 = tpu.matmul %concatenate3A_136, %get3A_142, %dot_general3A_143 {dimension_numbers = #tpu.dot_dimension_numbers<[1], [0], [0], [1], [0, 0, 1, 1], [], []>, transpose_lhs_hint = false} : vector<1024x64xf32>, vector<64x64xf32>, vector<1024x64xf32> -> vector<1024x64xf32>
    %add3A_145 = arith.addf %add3A_132, %dot_general3A_144 : vector<1024x64xf32>
    %slice3A_146 = vector.extract_strided_slice %get3A_3 {offsets = [33, 0], sizes = [991, 64], strides = [1, 1]} : vector<1024x64xf32> to vector<991x64xf32>
    %broadcast_in_dim3A_147 = arith.constant 0.000000e+00 : f32
    %broadcast_in_dim3A_148 = vector.broadcast %broadcast_in_dim3A_147 : f32 to vector<33x64xf32>
    %concatenate3A_149 = tpu.concatenate %slice3A_146, %broadcast_in_dim3A_148 in 0 : vector<991x64xf32>, vector<33x64xf32> -> vector<1024x64xf32>
    %eq3A_150 = arith.constant 31 : i32
    %eq3A_151 = vector.broadcast %eq3A_150 : i32 to vector<1024x64xi32>
    %eq3A_152 = arith.cmpi eq, %select_n3A_17, %eq3A_151 : vector<1024x64xi32>
    %jit3A_153 = arith.constant 0.000000e+00 : f32
    %broadcast_in_dim3A_154 = vector.broadcast %jit3A_153 : f32 to vector<1024x64xf32>
    %select_n3A_155 = arith.select %eq3A_152, %broadcast_in_dim3A_154, %concatenate3A_149 : vector<1024x64xi1>, vector<1024x64xf32>
    %get3A_156 = arith.constant 2 : index
    %get3A_157 = arith.constant 2 : index
    %get3A_158 = arith.constant 0 : index
    %get3A_159 = arith.constant 0 : index
    %get3A_160 = vector.load %arg3[%get3A_156, %get3A_157, %get3A_158, %get3A_159] : memref<3x3x64x64xf32, #tpu.memory_space<vmem>>, vector<1x1x64x64xf32>
    %get3A_161 = vector.shape_cast %get3A_160 : vector<1x1x64x64xf32> to vector<64x64xf32>
    %dot_general3A_162 = arith.constant dense<0.000000e+00> : vector<1024x64xf32>
    %dot_general3A_163 = tpu.matmul %select_n3A_155, %get3A_161, %dot_general3A_162 {dimension_numbers = #tpu.dot_dimension_numbers<[1], [0], [0], [1], [0, 0, 1, 1], [], []>, transpose_lhs_hint = false} : vector<1024x64xf32>, vector<64x64xf32>, vector<1024x64xf32> -> vector<1024x64xf32>
    %add3A_164 = arith.addf %add3A_145, %dot_general3A_163 : vector<1024x64xf32>
    %mul3A = arith.constant 5.000000e-01 : f32
    %mul3A_165 = vector.broadcast %mul3A : f32 to vector<1024x64xf32>
    %mul3A_166 = arith.mulf %get3A_3, %mul3A_165 : vector<1024x64xf32>
    %get3A_167 = arith.constant 0 : index
    %get3A_168 = arith.constant 0 : index
    %get3A_169 = vector.load %arg4[%get3A_167, %get3A_168] : memref<1x64xf32, #tpu.memory_space<vmem>>, vector<1x64xf32>
    %add3A_170 = vector.broadcast %get3A_169 : vector<1x64xf32> to vector<1024x64xf32>
    %add3A_171 = arith.addf %add3A_164, %add3A_170 : vector<1024x64xf32>
    %mul3A_172 = arith.constant 5.000000e-01 : f32
    %mul3A_173 = vector.broadcast %mul3A_172 : f32 to vector<1024x64xf32>
    %mul3A_174 = arith.mulf %add3A_171, %mul3A_173 : vector<1024x64xf32>
    %add3A_175 = arith.addf %mul3A_166, %mul3A_174 : vector<1024x64xf32>
    %transpose3A = tpu.transpose %add3A_175, [1, 0] : vector<1024x64xf32> -> vector<64x1024xf32>
    %get3A_176 = arith.constant 0 : index
    %get3A_177 = arith.constant 0 : index
    %get3A_178 = arith.constant 0 : index
    %get3A_179 = vector.load %arg2[%get3A_176, %get3A_177, %get3A_178] : memref<1x64x1024xf32, #tpu.memory_space<vmem>>, vector<1x64x1024xf32>
    %get3A_180 = vector.shape_cast %get3A_179 : vector<1x64x1024xf32> to vector<64x1024xf32>
    %sub3A = arith.subf %transpose3A, %get3A_180 : vector<64x1024xf32>
    %mul3A_181 = arith.mulf %sub3A, %sub3A : vector<64x1024xf32>
    %reduce_sum3A = vector.shape_cast %mul3A_181 : vector<64x1024xf32> to vector<1x64x1024xf32>
    %reduce_sum3A_182 = arith.constant dense<0.000000e+00> : vector<1xf32>
    %reduce_sum3A_183 = vector.multi_reduction <add>, %reduce_sum3A, %reduce_sum3A_182 [1, 2] : vector<1x64x1024xf32> to vector<1xf32>
    %reduce_sum3A_184 = vector.shape_cast %reduce_sum3A_183 : vector<1xf32> to vector<1x1x1xf32>
    %reduce_sum3A_185 = vector.extract %reduce_sum3A_184[0, 0, 0] : f32 from vector<1x1x1xf32>
    %reshape3A = vector.broadcast %reduce_sum3A_185 : f32 to vector<1x1xf32>
    %swap3A = arith.constant 0 : index
    %swap3A_186 = arith.constant 0 : index
    %swap3A_187 = arith.constant 0 : index
    %swap3A_188 = vector.load %arg5[%swap3A, %swap3A_186, %swap3A_187] : memref<1x64x1024xf32, #tpu.memory_space<vmem>>, vector<1x64x1024xf32>
    %swap3A_189 = vector.shape_cast %swap3A_188 : vector<1x64x1024xf32> to vector<64x1024xf32>
    %swap3A_190 = vector.shape_cast %transpose3A : vector<64x1024xf32> to vector<1x64x1024xf32>
    tpu.vector_store %arg5[%swap3A, %swap3A_186, %swap3A_187], %swap3A_190 {strides = array<i32>} : memref<1x64x1024xf32, #tpu.memory_space<vmem>>, vector<1x64x1024xf32>,
    %eq3A_191 = arith.constant 0 : i32
    %eq3A_192 = arith.cmpi eq, %arg0, %eq3A_191 : i32
    %convert_element_type3A = arith.extui %eq3A_192 : i1 to i32
    %cond3A = arith.constant 0 : i32
    %cond3A_193 = arith.cmpi ne, %convert_element_type3A, %cond3A : i32
    scf.if %cond3A_193 {
      %broadcast_in_dim3A_201 = arith.constant 0.000000e+00 : f32
      %broadcast_in_dim3A_202 = vector.broadcast %broadcast_in_dim3A_201 : f32 to vector<1x1xf32>
      %swap3A_203 = arith.constant 0 : index
      %swap3A_204 = arith.constant 0 : index
      %swap3A_205 = vector.load %arg6[%swap3A_203, %swap3A_204] : memref<1x1xf32, #tpu.memory_space<vmem>>, vector<1x1xf32>
      tpu.vector_store %arg6[%swap3A_203, %swap3A_204], %broadcast_in_dim3A_202 {strides = array<i32>} : memref<1x1xf32, #tpu.memory_space<vmem>>, vector<1x1xf32>,
    } else {
    }
    %get3A_194 = arith.constant 0 : index
    %get3A_195 = arith.constant 0 : index
    %get3A_196 = vector.load %arg6[%get3A_194, %get3A_195] : memref<1x1xf32, #tpu.memory_space<vmem>>, vector<1x1xf32>
    %add3A_197 = arith.addf %get3A_196, %reshape3A : vector<1x1xf32>
    %swap3A_198 = arith.constant 0 : index
    %swap3A_199 = arith.constant 0 : index
    %swap3A_200 = vector.load %arg6[%swap3A_198, %swap3A_199] : memref<1x1xf32, #tpu.memory_space<vmem>>, vector<1x1xf32>
    tpu.vector_store %arg6[%swap3A_198, %swap3A_199], %add3A_197 {strides = array<i32>} : memref<1x1xf32, #tpu.memory_space<vmem>>, vector<1x1xf32>,
    return
  }
  func.func @transform_0(%arg0: i32) -> (i32, i32, i32) {
    %c0_i32 = arith.constant 0 : i32
    %c0_i32_0 = arith.constant 0 : i32
    %c0_i32_1 = arith.constant 0 : i32
    return %arg0, %c0_i32, %c0_i32_0 : i32, i32, i32
  }
  func.func @transform_1(%arg0: i32) -> (i32, i32, i32) {
    %c0_i32 = arith.constant 0 : i32
    %c0_i32_0 = arith.constant 0 : i32
    %c0_i32_1 = arith.constant 0 : i32
    return %arg0, %c0_i32, %c0_i32_0 : i32, i32, i32
  }
  func.func @transform_2(%arg0: i32) -> (i32, i32, i32, i32) {
    %c0_i32 = arith.constant 0 : i32
    %c0_i32_0 = arith.constant 0 : i32
    %c0_i32_1 = arith.constant 0 : i32
    %c0_i32_2 = arith.constant 0 : i32
    %c0_i32_3 = arith.constant 0 : i32
    return %c0_i32, %c0_i32_0, %c0_i32_1, %c0_i32_2 : i32, i32, i32, i32
  }
  func.func @transform_3(%arg0: i32) -> (i32, i32) {
    %c0_i32 = arith.constant 0 : i32
    %c0_i32_0 = arith.constant 0 : i32
    %c0_i32_1 = arith.constant 0 : i32
    return %c0_i32, %c0_i32_0 : i32, i32
  }
  func.func @transform_4(%arg0: i32) -> (i32, i32, i32) {
    %c0_i32 = arith.constant 0 : i32
    %c0_i32_0 = arith.constant 0 : i32
    %c0_i32_1 = arith.constant 0 : i32
    return %arg0, %c0_i32, %c0_i32_0 : i32, i32, i32
  }
  func.func @transform_5(%arg0: i32) -> (i32, i32) {
    %c0_i32 = arith.constant 0 : i32
    %c0_i32_0 = arith.constant 0 : i32
    %c0_i32_1 = arith.constant 0 : i32
    return %c0_i32, %c0_i32_0 : i32, i32
  }
}

module attributes {stable_mosaic.version = 14 : i64} {
  func.func @_conv1_body(%arg0: i32, %arg1: memref<1x1024x128xf32, #tpu.memory_space<vmem>>, %arg2: memref<1x64x1024xf32, #tpu.memory_space<vmem>>, %arg3: memref<3x3x64x64xf32, #tpu.memory_space<vmem>>, %arg4: memref<1x64xf32, #tpu.memory_space<vmem>>, %arg5: memref<1x8192xf32, #tpu.memory_space<vmem>>, %arg6: memref<1x8192xf32, #tpu.memory_space<vmem>>, %arg7: memref<1x1xf32, #tpu.memory_space<vmem>>, %arg8: memref<1x64x1024xf32, #tpu.memory_space<vmem>>, %arg9: memref<1x1xf32, #tpu.memory_space<vmem>>, %arg10: memref<1x8192xf32, #tpu.memory_space<vmem>>) attributes {dimension_semantics = [#tpu.dimension_semantics<arbitrary>], iteration_bounds = array<i64: 16>, scalar_prefetch = 0 : i64, scratch_operands = 0 : i64, tpu.core_type = #tpu.core_type<tc>, window_params = [{transform_indices = @transform_0, window_bounds = array<i64: 1, 1024, 128>}, {transform_indices = @transform_1, window_bounds = array<i64: 1, 64, 1024>}, {pipeline_mode = #tpu.pipeline_mode<synchronous>, transform_indices = @transform_2, window_bounds = array<i64: 3, 3, 64, 64>}, {pipeline_mode = #tpu.pipeline_mode<synchronous>, transform_indices = @transform_3, window_bounds = array<i64: 1, 64>}, {pipeline_mode = #tpu.pipeline_mode<synchronous>, transform_indices = @transform_4, window_bounds = array<i64: 1, 8192>}, {pipeline_mode = #tpu.pipeline_mode<synchronous>, transform_indices = @transform_5, window_bounds = array<i64: 1, 8192>}, {pipeline_mode = #tpu.pipeline_mode<synchronous>, transform_indices = @transform_6, window_bounds = array<i64: 1, 1>}, {transform_indices = @transform_7, window_bounds = array<i64: 1, 64, 1024>}, {pipeline_mode = #tpu.pipeline_mode<synchronous>, transform_indices = @transform_8, window_bounds = array<i64: 1, 1>}, {pipeline_mode = #tpu.pipeline_mode<synchronous>, transform_indices = @transform_9, window_bounds = array<i64: 1, 8192>}]} {
    %get3A = arith.constant 0 : index
    %get3A_0 = arith.constant 0 : index
    %get3A_1 = arith.constant 0 : index
    %get3A_2 = vector.load %arg1[%get3A, %get3A_0, %get3A_1] : memref<1x1024x128xf32, #tpu.memory_space<vmem>>, vector<1x1024x64xf32>
    %get3A_3 = vector.shape_cast %get3A_2 : vector<1x1024x64xf32> to vector<1024x64xf32>
    %iota3A = tpu.iota {dimensions = array<i32: 0>} : vector<1024x64xi32>
    %jit3A = arith.constant 32 : i32
    %eq3A = arith.constant 0 : i32
    %eq3A_4 = arith.cmpi eq, %jit3A, %eq3A : i32
    %jit3A_5 = arith.constant 1 : i32
    %select_n3A = arith.select %eq3A_4, %jit3A_5, %jit3A : i32
    %rem3A = vector.broadcast %select_n3A : i32 to vector<1024x64xi32>
    %rem3A_6 = arith.remsi %iota3A, %rem3A : vector<1024x64xi32>
    %ne3A = arith.constant 0 : i32
    %ne3A_7 = vector.broadcast %ne3A : i32 to vector<1024x64xi32>
    %ne3A_8 = arith.cmpi ne, %rem3A_6, %ne3A_7 : vector<1024x64xi32>
    %lt3A = arith.constant 0 : i32
    %lt3A_9 = vector.broadcast %lt3A : i32 to vector<1024x64xi32>
    %lt3A_10 = arith.cmpi slt, %rem3A_6, %lt3A_9 : vector<1024x64xi32>
    %lt3A_11 = arith.constant 0 : i32
    %lt3A_12 = arith.cmpi slt, %select_n3A, %lt3A_11 : i32
    %ne3A_13 = vector.broadcast %lt3A_12 : i1 to vector<1024x64xi1>
    %ne3A_14 = vector.broadcast %ne3A_13 : vector<1024x64xi1> to vector<1024x64xi1>
    %ne3A_15 = arith.xori %lt3A_10, %ne3A_14 : vector<1024x64xi1>
    %and3A = arith.andi %ne3A_15, %ne3A_8 : vector<1024x64xi1>
    %add3A = vector.broadcast %select_n3A : i32 to vector<1024x64xi32>
    %add3A_16 = arith.addi %rem3A_6, %add3A : vector<1024x64xi32>
    %select_n3A_17 = arith.select %and3A, %add3A_16, %rem3A_6 : vector<1024x64xi1>, vector<1024x64xi32>
    %broadcast_in_dim3A = arith.constant 0.000000e+00 : f32
    %broadcast_in_dim3A_18 = vector.broadcast %broadcast_in_dim3A : f32 to vector<1024x64xf32>
    %broadcast_in_dim3A_19 = arith.constant 0.000000e+00 : f32
    %broadcast_in_dim3A_20 = vector.broadcast %broadcast_in_dim3A_19 : f32 to vector<33x64xf32>
    %slice3A = vector.extract_strided_slice %get3A_3 {offsets = [0, 0], sizes = [991, 64], strides = [1, 1]} : vector<1024x64xf32> to vector<991x64xf32>
    %concatenate3A = tpu.concatenate %broadcast_in_dim3A_20, %slice3A in 0 : vector<33x64xf32>, vector<991x64xf32> -> vector<1024x64xf32>
    %eq3A_21 = arith.constant 0 : i32
    %eq3A_22 = vector.broadcast %eq3A_21 : i32 to vector<1024x64xi32>
    %eq3A_23 = arith.cmpi eq, %select_n3A_17, %eq3A_22 : vector<1024x64xi32>
    %jit3A_24 = arith.constant 0.000000e+00 : f32
    %broadcast_in_dim3A_25 = vector.broadcast %jit3A_24 : f32 to vector<1024x64xf32>
    %select_n3A_26 = arith.select %eq3A_23, %broadcast_in_dim3A_25, %concatenate3A : vector<1024x64xi1>, vector<1024x64xf32>
    %get3A_27 = arith.constant 0 : index
    %get3A_28 = arith.constant 0 : index
    %get3A_29 = arith.constant 0 : index
    %get3A_30 = arith.constant 0 : index
    %get3A_31 = vector.load %arg3[%get3A_27, %get3A_28, %get3A_29, %get3A_30] : memref<3x3x64x64xf32, #tpu.memory_space<vmem>>, vector<1x1x64x64xf32>
    %get3A_32 = vector.shape_cast %get3A_31 : vector<1x1x64x64xf32> to vector<64x64xf32>
    %dot_general3A = arith.constant dense<0.000000e+00> : vector<1024x64xf32>
    %dot_general3A_33 = tpu.matmul %select_n3A_26, %get3A_32, %dot_general3A {dimension_numbers = #tpu.dot_dimension_numbers<[1], [0], [0], [1], [0, 0, 1, 1], [], []>, transpose_lhs_hint = false} : vector<1024x64xf32>, vector<64x64xf32>, vector<1024x64xf32> -> vector<1024x64xf32>
    %add3A_34 = arith.addf %broadcast_in_dim3A_18, %dot_general3A_33 : vector<1024x64xf32>
    %broadcast_in_dim3A_35 = arith.constant 0.000000e+00 : f32
    %broadcast_in_dim3A_36 = vector.broadcast %broadcast_in_dim3A_35 : f32 to vector<32x64xf32>
    %slice3A_37 = vector.extract_strided_slice %get3A_3 {offsets = [0, 0], sizes = [992, 64], strides = [1, 1]} : vector<1024x64xf32> to vector<992x64xf32>
    %concatenate3A_38 = tpu.concatenate %broadcast_in_dim3A_36, %slice3A_37 in 0 : vector<32x64xf32>, vector<992x64xf32> -> vector<1024x64xf32>
    %get3A_39 = arith.constant 0 : index
    %get3A_40 = arith.constant 1 : index
    %get3A_41 = arith.constant 0 : index
    %get3A_42 = arith.constant 0 : index
    %get3A_43 = vector.load %arg3[%get3A_39, %get3A_40, %get3A_41, %get3A_42] : memref<3x3x64x64xf32, #tpu.memory_space<vmem>>, vector<1x1x64x64xf32>
    %get3A_44 = vector.shape_cast %get3A_43 : vector<1x1x64x64xf32> to vector<64x64xf32>
    %dot_general3A_45 = arith.constant dense<0.000000e+00> : vector<1024x64xf32>
    %dot_general3A_46 = tpu.matmul %concatenate3A_38, %get3A_44, %dot_general3A_45 {dimension_numbers = #tpu.dot_dimension_numbers<[1], [0], [0], [1], [0, 0, 1, 1], [], []>, transpose_lhs_hint = false} : vector<1024x64xf32>, vector<64x64xf32>, vector<1024x64xf32> -> vector<1024x64xf32>
    %add3A_47 = arith.addf %add3A_34, %dot_general3A_46 : vector<1024x64xf32>
    %broadcast_in_dim3A_48 = arith.constant 0.000000e+00 : f32
    %broadcast_in_dim3A_49 = vector.broadcast %broadcast_in_dim3A_48 : f32 to vector<31x64xf32>
    %slice3A_50 = vector.extract_strided_slice %get3A_3 {offsets = [0, 0], sizes = [993, 64], strides = [1, 1]} : vector<1024x64xf32> to vector<993x64xf32>
    %concatenate3A_51 = tpu.concatenate %broadcast_in_dim3A_49, %slice3A_50 in 0 : vector<31x64xf32>, vector<993x64xf32> -> vector<1024x64xf32>
    %eq3A_52 = arith.constant 31 : i32
    %eq3A_53 = vector.broadcast %eq3A_52 : i32 to vector<1024x64xi32>
    %eq3A_54 = arith.cmpi eq, %select_n3A_17, %eq3A_53 : vector<1024x64xi32>
    %jit3A_55 = arith.constant 0.000000e+00 : f32
    %broadcast_in_dim3A_56 = vector.broadcast %jit3A_55 : f32 to vector<1024x64xf32>
    %select_n3A_57 = arith.select %eq3A_54, %broadcast_in_dim3A_56, %concatenate3A_51 : vector<1024x64xi1>, vector<1024x64xf32>
    %get3A_58 = arith.constant 0 : index
    %get3A_59 = arith.constant 2 : index
    %get3A_60 = arith.constant 0 : index
    %get3A_61 = arith.constant 0 : index
    %get3A_62 = vector.load %arg3[%get3A_58, %get3A_59, %get3A_60, %get3A_61] : memref<3x3x64x64xf32, #tpu.memory_space<vmem>>, vector<1x1x64x64xf32>
    %get3A_63 = vector.shape_cast %get3A_62 : vector<1x1x64x64xf32> to vector<64x64xf32>
    %dot_general3A_64 = arith.constant dense<0.000000e+00> : vector<1024x64xf32>
    %dot_general3A_65 = tpu.matmul %select_n3A_57, %get3A_63, %dot_general3A_64 {dimension_numbers = #tpu.dot_dimension_numbers<[1], [0], [0], [1], [0, 0, 1, 1], [], []>, transpose_lhs_hint = false} : vector<1024x64xf32>, vector<64x64xf32>, vector<1024x64xf32> -> vector<1024x64xf32>
    %add3A_66 = arith.addf %add3A_47, %dot_general3A_65 : vector<1024x64xf32>
    %broadcast_in_dim3A_67 = arith.constant 0.000000e+00 : f32
    %broadcast_in_dim3A_68 = vector.broadcast %broadcast_in_dim3A_67 : f32 to vector<1x64xf32>
    %slice3A_69 = vector.extract_strided_slice %get3A_3 {offsets = [0, 0], sizes = [1023, 64], strides = [1, 1]} : vector<1024x64xf32> to vector<1023x64xf32>
    %concatenate3A_70 = tpu.concatenate %broadcast_in_dim3A_68, %slice3A_69 in 0 : vector<1x64xf32>, vector<1023x64xf32> -> vector<1024x64xf32>
    %eq3A_71 = arith.constant 0 : i32
    %eq3A_72 = vector.broadcast %eq3A_71 : i32 to vector<1024x64xi32>
    %eq3A_73 = arith.cmpi eq, %select_n3A_17, %eq3A_72 : vector<1024x64xi32>
    %jit3A_74 = arith.constant 0.000000e+00 : f32
    %broadcast_in_dim3A_75 = vector.broadcast %jit3A_74 : f32 to vector<1024x64xf32>
    %select_n3A_76 = arith.select %eq3A_73, %broadcast_in_dim3A_75, %concatenate3A_70 : vector<1024x64xi1>, vector<1024x64xf32>
    %get3A_77 = arith.constant 1 : index
    %get3A_78 = arith.constant 0 : index
    %get3A_79 = arith.constant 0 : index
    %get3A_80 = arith.constant 0 : index
    %get3A_81 = vector.load %arg3[%get3A_77, %get3A_78, %get3A_79, %get3A_80] : memref<3x3x64x64xf32, #tpu.memory_space<vmem>>, vector<1x1x64x64xf32>
    %get3A_82 = vector.shape_cast %get3A_81 : vector<1x1x64x64xf32> to vector<64x64xf32>
    %dot_general3A_83 = arith.constant dense<0.000000e+00> : vector<1024x64xf32>
    %dot_general3A_84 = tpu.matmul %select_n3A_76, %get3A_82, %dot_general3A_83 {dimension_numbers = #tpu.dot_dimension_numbers<[1], [0], [0], [1], [0, 0, 1, 1], [], []>, transpose_lhs_hint = false} : vector<1024x64xf32>, vector<64x64xf32>, vector<1024x64xf32> -> vector<1024x64xf32>
    %add3A_85 = arith.addf %add3A_66, %dot_general3A_84 : vector<1024x64xf32>
    %get3A_86 = arith.constant 1 : index
    %get3A_87 = arith.constant 1 : index
    %get3A_88 = arith.constant 0 : index
    %get3A_89 = arith.constant 0 : index
    %get3A_90 = vector.load %arg3[%get3A_86, %get3A_87, %get3A_88, %get3A_89] : memref<3x3x64x64xf32, #tpu.memory_space<vmem>>, vector<1x1x64x64xf32>
    %get3A_91 = vector.shape_cast %get3A_90 : vector<1x1x64x64xf32> to vector<64x64xf32>
    %dot_general3A_92 = arith.constant dense<0.000000e+00> : vector<1024x64xf32>
    %dot_general3A_93 = tpu.matmul %get3A_3, %get3A_91, %dot_general3A_92 {dimension_numbers = #tpu.dot_dimension_numbers<[1], [0], [0], [1], [0, 0, 1, 1], [], []>, transpose_lhs_hint = false} : vector<1024x64xf32>, vector<64x64xf32>, vector<1024x64xf32> -> vector<1024x64xf32>
    %add3A_94 = arith.addf %add3A_85, %dot_general3A_93 : vector<1024x64xf32>
    %slice3A_95 = vector.extract_strided_slice %get3A_3 {offsets = [1, 0], sizes = [1023, 64], strides = [1, 1]} : vector<1024x64xf32> to vector<1023x64xf32>
    %broadcast_in_dim3A_96 = arith.constant 0.000000e+00 : f32
    %broadcast_in_dim3A_97 = vector.broadcast %broadcast_in_dim3A_96 : f32 to vector<1x64xf32>
    %concatenate3A_98 = tpu.concatenate %slice3A_95, %broadcast_in_dim3A_97 in 0 : vector<1023x64xf32>, vector<1x64xf32> -> vector<1024x64xf32>
    %eq3A_99 = arith.constant 31 : i32
    %eq3A_100 = vector.broadcast %eq3A_99 : i32 to vector<1024x64xi32>
    %eq3A_101 = arith.cmpi eq, %select_n3A_17, %eq3A_100 : vector<1024x64xi32>
    %jit3A_102 = arith.constant 0.000000e+00 : f32
    %broadcast_in_dim3A_103 = vector.broadcast %jit3A_102 : f32 to vector<1024x64xf32>
    %select_n3A_104 = arith.select %eq3A_101, %broadcast_in_dim3A_103, %concatenate3A_98 : vector<1024x64xi1>, vector<1024x64xf32>
    %get3A_105 = arith.constant 1 : index
    %get3A_106 = arith.constant 2 : index
    %get3A_107 = arith.constant 0 : index
    %get3A_108 = arith.constant 0 : index
    %get3A_109 = vector.load %arg3[%get3A_105, %get3A_106, %get3A_107, %get3A_108] : memref<3x3x64x64xf32, #tpu.memory_space<vmem>>, vector<1x1x64x64xf32>
    %get3A_110 = vector.shape_cast %get3A_109 : vector<1x1x64x64xf32> to vector<64x64xf32>
    %dot_general3A_111 = arith.constant dense<0.000000e+00> : vector<1024x64xf32>
    %dot_general3A_112 = tpu.matmul %select_n3A_104, %get3A_110, %dot_general3A_111 {dimension_numbers = #tpu.dot_dimension_numbers<[1], [0], [0], [1], [0, 0, 1, 1], [], []>, transpose_lhs_hint = false} : vector<1024x64xf32>, vector<64x64xf32>, vector<1024x64xf32> -> vector<1024x64xf32>
    %add3A_113 = arith.addf %add3A_94, %dot_general3A_112 : vector<1024x64xf32>
    %slice3A_114 = vector.extract_strided_slice %get3A_3 {offsets = [31, 0], sizes = [993, 64], strides = [1, 1]} : vector<1024x64xf32> to vector<993x64xf32>
    %broadcast_in_dim3A_115 = arith.constant 0.000000e+00 : f32
    %broadcast_in_dim3A_116 = vector.broadcast %broadcast_in_dim3A_115 : f32 to vector<31x64xf32>
    %concatenate3A_117 = tpu.concatenate %slice3A_114, %broadcast_in_dim3A_116 in 0 : vector<993x64xf32>, vector<31x64xf32> -> vector<1024x64xf32>
    %eq3A_118 = arith.constant 0 : i32
    %eq3A_119 = vector.broadcast %eq3A_118 : i32 to vector<1024x64xi32>
    %eq3A_120 = arith.cmpi eq, %select_n3A_17, %eq3A_119 : vector<1024x64xi32>
    %jit3A_121 = arith.constant 0.000000e+00 : f32
    %broadcast_in_dim3A_122 = vector.broadcast %jit3A_121 : f32 to vector<1024x64xf32>
    %select_n3A_123 = arith.select %eq3A_120, %broadcast_in_dim3A_122, %concatenate3A_117 : vector<1024x64xi1>, vector<1024x64xf32>
    %get3A_124 = arith.constant 2 : index
    %get3A_125 = arith.constant 0 : index
    %get3A_126 = arith.constant 0 : index
    %get3A_127 = arith.constant 0 : index
    %get3A_128 = vector.load %arg3[%get3A_124, %get3A_125, %get3A_126, %get3A_127] : memref<3x3x64x64xf32, #tpu.memory_space<vmem>>, vector<1x1x64x64xf32>
    %get3A_129 = vector.shape_cast %get3A_128 : vector<1x1x64x64xf32> to vector<64x64xf32>
    %dot_general3A_130 = arith.constant dense<0.000000e+00> : vector<1024x64xf32>
    %dot_general3A_131 = tpu.matmul %select_n3A_123, %get3A_129, %dot_general3A_130 {dimension_numbers = #tpu.dot_dimension_numbers<[1], [0], [0], [1], [0, 0, 1, 1], [], []>, transpose_lhs_hint = false} : vector<1024x64xf32>, vector<64x64xf32>, vector<1024x64xf32> -> vector<1024x64xf32>
    %add3A_132 = arith.addf %add3A_113, %dot_general3A_131 : vector<1024x64xf32>
    %slice3A_133 = vector.extract_strided_slice %get3A_3 {offsets = [32, 0], sizes = [992, 64], strides = [1, 1]} : vector<1024x64xf32> to vector<992x64xf32>
    %broadcast_in_dim3A_134 = arith.constant 0.000000e+00 : f32
    %broadcast_in_dim3A_135 = vector.broadcast %broadcast_in_dim3A_134 : f32 to vector<32x64xf32>
    %concatenate3A_136 = tpu.concatenate %slice3A_133, %broadcast_in_dim3A_135 in 0 : vector<992x64xf32>, vector<32x64xf32> -> vector<1024x64xf32>
    %get3A_137 = arith.constant 2 : index
    %get3A_138 = arith.constant 1 : index
    %get3A_139 = arith.constant 0 : index
    %get3A_140 = arith.constant 0 : index
    %get3A_141 = vector.load %arg3[%get3A_137, %get3A_138, %get3A_139, %get3A_140] : memref<3x3x64x64xf32, #tpu.memory_space<vmem>>, vector<1x1x64x64xf32>
    %get3A_142 = vector.shape_cast %get3A_141 : vector<1x1x64x64xf32> to vector<64x64xf32>
    %dot_general3A_143 = arith.constant dense<0.000000e+00> : vector<1024x64xf32>
    %dot_general3A_144 = tpu.matmul %concatenate3A_136, %get3A_142, %dot_general3A_143 {dimension_numbers = #tpu.dot_dimension_numbers<[1], [0], [0], [1], [0, 0, 1, 1], [], []>, transpose_lhs_hint = false} : vector<1024x64xf32>, vector<64x64xf32>, vector<1024x64xf32> -> vector<1024x64xf32>
    %add3A_145 = arith.addf %add3A_132, %dot_general3A_144 : vector<1024x64xf32>
    %slice3A_146 = vector.extract_strided_slice %get3A_3 {offsets = [33, 0], sizes = [991, 64], strides = [1, 1]} : vector<1024x64xf32> to vector<991x64xf32>
    %broadcast_in_dim3A_147 = arith.constant 0.000000e+00 : f32
    %broadcast_in_dim3A_148 = vector.broadcast %broadcast_in_dim3A_147 : f32 to vector<33x64xf32>
    %concatenate3A_149 = tpu.concatenate %slice3A_146, %broadcast_in_dim3A_148 in 0 : vector<991x64xf32>, vector<33x64xf32> -> vector<1024x64xf32>
    %eq3A_150 = arith.constant 31 : i32
    %eq3A_151 = vector.broadcast %eq3A_150 : i32 to vector<1024x64xi32>
    %eq3A_152 = arith.cmpi eq, %select_n3A_17, %eq3A_151 : vector<1024x64xi32>
    %jit3A_153 = arith.constant 0.000000e+00 : f32
    %broadcast_in_dim3A_154 = vector.broadcast %jit3A_153 : f32 to vector<1024x64xf32>
    %select_n3A_155 = arith.select %eq3A_152, %broadcast_in_dim3A_154, %concatenate3A_149 : vector<1024x64xi1>, vector<1024x64xf32>
    %get3A_156 = arith.constant 2 : index
    %get3A_157 = arith.constant 2 : index
    %get3A_158 = arith.constant 0 : index
    %get3A_159 = arith.constant 0 : index
    %get3A_160 = vector.load %arg3[%get3A_156, %get3A_157, %get3A_158, %get3A_159] : memref<3x3x64x64xf32, #tpu.memory_space<vmem>>, vector<1x1x64x64xf32>
    %get3A_161 = vector.shape_cast %get3A_160 : vector<1x1x64x64xf32> to vector<64x64xf32>
    %dot_general3A_162 = arith.constant dense<0.000000e+00> : vector<1024x64xf32>
    %dot_general3A_163 = tpu.matmul %select_n3A_155, %get3A_161, %dot_general3A_162 {dimension_numbers = #tpu.dot_dimension_numbers<[1], [0], [0], [1], [0, 0, 1, 1], [], []>, transpose_lhs_hint = false} : vector<1024x64xf32>, vector<64x64xf32>, vector<1024x64xf32> -> vector<1024x64xf32>
    %add3A_164 = arith.addf %add3A_145, %dot_general3A_163 : vector<1024x64xf32>
    %mul3A = arith.constant 5.000000e-01 : f32
    %mul3A_165 = vector.broadcast %mul3A : f32 to vector<1024x64xf32>
    %mul3A_166 = arith.mulf %get3A_3, %mul3A_165 : vector<1024x64xf32>
    %get3A_167 = arith.constant 0 : index
    %get3A_168 = arith.constant 0 : index
    %get3A_169 = vector.load %arg4[%get3A_167, %get3A_168] : memref<1x64xf32, #tpu.memory_space<vmem>>, vector<1x64xf32>
    %add3A_170 = vector.broadcast %get3A_169 : vector<1x64xf32> to vector<1024x64xf32>
    %add3A_171 = arith.addf %add3A_164, %add3A_170 : vector<1024x64xf32>
    %mul3A_172 = arith.constant 5.000000e-01 : f32
    %mul3A_173 = vector.broadcast %mul3A_172 : f32 to vector<1024x64xf32>
    %mul3A_174 = arith.mulf %add3A_171, %mul3A_173 : vector<1024x64xf32>
    %add3A_175 = arith.addf %mul3A_166, %mul3A_174 : vector<1024x64xf32>
    %transpose3A = tpu.transpose %add3A_175, [1, 0] : vector<1024x64xf32> -> vector<64x1024xf32>
    %get3A_176 = arith.constant 0 : index
    %get3A_177 = arith.constant 0 : index
    %get3A_178 = arith.constant 0 : index
    %get3A_179 = vector.load %arg2[%get3A_176, %get3A_177, %get3A_178] : memref<1x64x1024xf32, #tpu.memory_space<vmem>>, vector<1x64x1024xf32>
    %get3A_180 = vector.shape_cast %get3A_179 : vector<1x64x1024xf32> to vector<64x1024xf32>
    %sub3A = arith.subf %transpose3A, %get3A_180 : vector<64x1024xf32>
    %mul3A_181 = arith.mulf %sub3A, %sub3A : vector<64x1024xf32>
    %reduce_sum3A = vector.shape_cast %mul3A_181 : vector<64x1024xf32> to vector<1x64x1024xf32>
    %reduce_sum3A_182 = arith.constant dense<0.000000e+00> : vector<1xf32>
    %reduce_sum3A_183 = vector.multi_reduction <add>, %reduce_sum3A, %reduce_sum3A_182 [1, 2] : vector<1x64x1024xf32> to vector<1xf32>
    %reduce_sum3A_184 = vector.shape_cast %reduce_sum3A_183 : vector<1xf32> to vector<1x1x1xf32>
    %reduce_sum3A_185 = vector.extract %reduce_sum3A_184[0, 0, 0] : f32 from vector<1x1x1xf32>
    %reshape3A = vector.broadcast %reduce_sum3A_185 : f32 to vector<1x1xf32>
    %swap3A = arith.constant 0 : index
    %swap3A_186 = arith.constant 0 : index
    %swap3A_187 = arith.constant 0 : index
    %swap3A_188 = vector.load %arg8[%swap3A, %swap3A_186, %swap3A_187] : memref<1x64x1024xf32, #tpu.memory_space<vmem>>, vector<1x64x1024xf32>
    %swap3A_189 = vector.shape_cast %swap3A_188 : vector<1x64x1024xf32> to vector<64x1024xf32>
    %swap3A_190 = vector.shape_cast %transpose3A : vector<64x1024xf32> to vector<1x64x1024xf32>
    tpu.vector_store %arg8[%swap3A, %swap3A_186, %swap3A_187], %swap3A_190 {strides = array<i32>} : memref<1x64x1024xf32, #tpu.memory_space<vmem>>, vector<1x64x1024xf32>,
    %eq3A_191 = arith.constant 0 : i32
    %eq3A_192 = arith.cmpi eq, %arg0, %eq3A_191 : i32
    %convert_element_type3A = arith.extui %eq3A_192 : i1 to i32
    %cond3A = arith.constant 0 : i32
    %cond3A_193 = arith.cmpi ne, %convert_element_type3A, %cond3A : i32
    scf.if %cond3A_193 {
      %get3A_206 = arith.constant 0 : index
      %get3A_207 = arith.constant 0 : index
      %get3A_208 = vector.load %arg7[%get3A_206, %get3A_207] : memref<1x1xf32, #tpu.memory_space<vmem>>, vector<1x1xf32>
      %swap3A_209 = arith.constant 0 : index
      %swap3A_210 = arith.constant 0 : index
      %swap3A_211 = vector.load %arg9[%swap3A_209, %swap3A_210] : memref<1x1xf32, #tpu.memory_space<vmem>>, vector<1x1xf32>
      tpu.vector_store %arg9[%swap3A_209, %swap3A_210], %get3A_208 {strides = array<i32>} : memref<1x1xf32, #tpu.memory_space<vmem>>, vector<1x1xf32>,
      %get3A_212 = arith.constant 0 : index
      %get3A_213 = arith.constant 0 : index
      %get3A_214 = vector.load %arg5[%get3A_212, %get3A_213] : memref<1x8192xf32, #tpu.memory_space<vmem>>, vector<1x8192xf32>
      %get3A_215 = arith.constant 0 : index
      %get3A_216 = arith.constant 0 : index
      %get3A_217 = vector.load %arg6[%get3A_215, %get3A_216] : memref<1x8192xf32, #tpu.memory_space<vmem>>, vector<1x8192xf32>
      %add3A_218 = arith.addf %get3A_214, %get3A_217 : vector<1x8192xf32>
      %swap3A_219 = arith.constant 0 : index
      %swap3A_220 = arith.constant 0 : index
      %swap3A_221 = vector.load %arg10[%swap3A_219, %swap3A_220] : memref<1x8192xf32, #tpu.memory_space<vmem>>, vector<1x8192xf32>
      tpu.vector_store %arg10[%swap3A_219, %swap3A_220], %add3A_218 {strides = array<i32>} : memref<1x8192xf32, #tpu.memory_space<vmem>>, vector<1x8192xf32>,
    } else {
    }
    %get3A_194 = arith.constant 0 : index
    %get3A_195 = arith.constant 0 : index
    %get3A_196 = vector.load %arg9[%get3A_194, %get3A_195] : memref<1x1xf32, #tpu.memory_space<vmem>>, vector<1x1xf32>
    %add3A_197 = arith.addf %get3A_196, %reshape3A : vector<1x1xf32>
    %swap3A_198 = arith.constant 0 : index
    %swap3A_199 = arith.constant 0 : index
    %swap3A_200 = vector.load %arg9[%swap3A_198, %swap3A_199] : memref<1x1xf32, #tpu.memory_space<vmem>>, vector<1x1xf32>
    tpu.vector_store %arg9[%swap3A_198, %swap3A_199], %add3A_197 {strides = array<i32>} : memref<1x1xf32, #tpu.memory_space<vmem>>, vector<1x1xf32>,
    %eq3A_201 = arith.constant 15 : i32
    %eq3A_202 = arith.cmpi eq, %arg0, %eq3A_201 : i32
    %convert_element_type3A_203 = arith.extui %eq3A_202 : i1 to i32
    %cond3A_204 = arith.constant 0 : i32
    %cond3A_205 = arith.cmpi ne, %convert_element_type3A_203, %cond3A_204 : i32
    scf.if %cond3A_205 {
      %get3A_206 = arith.constant 0 : index
      %get3A_207 = arith.constant 0 : index
      %get3A_208 = vector.load %arg9[%get3A_206, %get3A_207] : memref<1x1xf32, #tpu.memory_space<vmem>>, vector<1x1xf32>
      %mul3A_209 = arith.constant 5.96046448E-7 : f32
      %mul3A_210 = vector.broadcast %mul3A_209 : f32 to vector<1x1xf32>
      %mul3A_211 = arith.mulf %get3A_208, %mul3A_210 : vector<1x1xf32>
      %swap3A_212 = arith.constant 0 : index
      %swap3A_213 = arith.constant 0 : index
      %swap3A_214 = vector.load %arg9[%swap3A_212, %swap3A_213] : memref<1x1xf32, #tpu.memory_space<vmem>>, vector<1x1xf32>
      tpu.vector_store %arg9[%swap3A_212, %swap3A_213], %mul3A_211 {strides = array<i32>} : memref<1x1xf32, #tpu.memory_space<vmem>>, vector<1x1xf32>,
    } else {
    }
    return
  }
  func.func @transform_0(%arg0: i32) -> (i32, i32, i32) {
    %c0_i32 = arith.constant 0 : i32
    %c0_i32_0 = arith.constant 0 : i32
    %c0_i32_1 = arith.constant 0 : i32
    return %arg0, %c0_i32, %c0_i32_0 : i32, i32, i32
  }
  func.func @transform_1(%arg0: i32) -> (i32, i32, i32) {
    %add3A = arith.constant 16 : i32
    %add3A_0 = arith.addi %arg0, %add3A : i32
    %c0_i32 = arith.constant 0 : i32
    %c0_i32_1 = arith.constant 0 : i32
    %c0_i32_2 = arith.constant 0 : i32
    return %add3A_0, %c0_i32, %c0_i32_1 : i32, i32, i32
  }
  func.func @transform_2(%arg0: i32) -> (i32, i32, i32, i32) {
    %c0_i32 = arith.constant 0 : i32
    %c0_i32_0 = arith.constant 0 : i32
    %c0_i32_1 = arith.constant 0 : i32
    %c0_i32_2 = arith.constant 0 : i32
    %c0_i32_3 = arith.constant 0 : i32
    return %c0_i32, %c0_i32_0, %c0_i32_1, %c0_i32_2 : i32, i32, i32, i32
  }
  func.func @transform_3(%arg0: i32) -> (i32, i32) {
    %c0_i32 = arith.constant 0 : i32
    %c0_i32_0 = arith.constant 0 : i32
    %c0_i32_1 = arith.constant 0 : i32
    return %c0_i32, %c0_i32_0 : i32, i32
  }
  func.func @transform_4(%arg0: i32) -> (i32, i32) {
    %c0_i32 = arith.constant 0 : i32
    %c0_i32_0 = arith.constant 0 : i32
    %c0_i32_1 = arith.constant 0 : i32
    return %c0_i32, %c0_i32_0 : i32, i32
  }
  func.func @transform_5(%arg0: i32) -> (i32, i32) {
    %c0_i32 = arith.constant 0 : i32
    %c0_i32_0 = arith.constant 0 : i32
    %c0_i32_1 = arith.constant 0 : i32
    return %c0_i32, %c0_i32_0 : i32, i32
  }
  func.func @transform_6(%arg0: i32) -> (i32, i32) {
    %c0_i32 = arith.constant 0 : i32
    %c0_i32_0 = arith.constant 0 : i32
    %c0_i32_1 = arith.constant 0 : i32
    return %c0_i32, %c0_i32_0 : i32, i32
  }
  func.func @transform_7(%arg0: i32) -> (i32, i32, i32) {
    %c0_i32 = arith.constant 0 : i32
    %c0_i32_0 = arith.constant 0 : i32
    %c0_i32_1 = arith.constant 0 : i32
    return %arg0, %c0_i32, %c0_i32_0 : i32, i32, i32
  }
  func.func @transform_8(%arg0: i32) -> (i32, i32) {
    %c0_i32 = arith.constant 0 : i32
    %c0_i32_0 = arith.constant 0 : i32
    %c0_i32_1 = arith.constant 0 : i32
    return %c0_i32, %c0_i32_0 : i32, i32
  }
  func.func @transform_9(%arg0: i32) -> (i32, i32) {
    %c0_i32 = arith.constant 0 : i32
    %c0_i32_0 = arith.constant 0 : i32
    %c0_i32_1 = arith.constant 0 : i32
    return %c0_i32, %c0_i32_0 : i32, i32
  }
}

</mosaic_0001>

<sc_bundles>
// kernel: kernel.11.cloned.1.call-start
scs
__scs_entry_jumppad:
0x0: {  	(pc) =	sbr.rel $0x88, $3  }
0x1: {  	(tag) =	ssettag $0x0;
	lr =	simm.s32 $0x1  }
0x2: {  	[smem:$0x3F9D] =	sst lr;
	_ =	strace $0xD0000000  }
0x3: {  	_ = 	snop  }
0x4: {  	_ = 	snop  }
0x5: {  	_ = 	snop  }
0x6: {  	_ = 	snop  }
0x7: {  	_ = 	snop  }
__scs_overlays_trampoline_lowered:
0x8: {  	[smem:$0x3FAC] =	sst s0  }
0x9: {  	[smem:$0x3FAD] =	sst s1  }
0xa: {  	[smem:$0x3FAE] =	sst s2  }
0xb: {  	[smem:$0x3FAF] =	sst s3  }
0xc: {  	[smem:$0x3FB0] =	sst s4  }
0xd: {  	[smem:$0x3FB1] =	sst s5  }
0xe: {  	[smem:$0x3FB2] =	sst s6  }
0xf: {  	[smem:$0x3FB3] =	sst s7  }
0x10: {  	[smem:$0x3FB4] =	sst s8  }
0x11: {  	[smem:$0x3FB5] =	sst s9;
	s0 =	simm.s32 @!p0 $0x0  }
0x12: {  	s1 =	sld [smem:$0x3F9B];
	s0 =	simm.s32 @p0 $0x1  }
0x13: {  	[smem:$0x3FB6] =	sst s0;
	s0 =	simm.s32 @!p1 $0x0  }
0x14: {  	s2 =	sld [smem:$0x3F9A];
	s0 =	simm.s32 @p1 $0x1  }
0x15: {  	[smem:$0x3FB7] =	sst s0;
	s0 =	simm.s32 @!p2 $0x0  }
0x16: {  	s3 =	sld [smem:$0x3FDB];
	s0 =	simm.s32 @p2 $0x1  }
0x17: {  	s4 =	simm.s32 $0x1BF5;
	[smem:$0x3FB9] =	sst s0  }
0x18: {  	s0 =	sld [smem:$0x3F9C];
	_ =	swait.ge [sflag:s4], $0x0  }
0x19: {  	s7 =	sld [smem:$0x3F9D]  }
0x1a: {  	s8 =	sadd.s32 $0xFFFFE003, lr  }
0x1b: {  	s9 =	sadd.s32 $0xFFFFFEF7, lr;
	s5 =	simm.s32 $0xFFFFFFFF;
	p2 =	slt.u32 s8, $0xFFFFF086  }
0x1c: {  	p1 =	slt.u32 s9, $0xF7A;
	s5 =	simm.s32 @!p2 $0x0  }
0x1d: {  	s5 =	simm.s32 @p1 $0x1;
	p0 =	seq.s32 s7, s2  }
0x1e: {  	s7 =	smul.u32 @!p0 $0xF7A, s2;
	p2 =	seq.s32 @!p0 s5, $0x0  }
0x1f: {  	s9 =	smul.u32 $0xF7A, s1;
	s8 =	simm.s32 @!p0 $0x1BF5;
	p2 =	por !p2, p0  }
0x20: {  	[sflag:s8] =	ssyncset.s32 @!p0 $0xFFFFF086;
	s6 =	sadd.s32 @!p0 s3, s7;
	s7 =	simm.s32 @!p0 $0x108  }
0x21: {  	s3 =	sadd.s32 s3, s9;
	s6 =	sadd.s32 @!p0 $0x88, s6;
	s7 =	simm.s32 @p2 $0x1082  }
0x22: {  	[simem:s7], [sflag:s8] =	dma.local @!p0 [hbm:s6], $0xF7A  }
0x23: {  	s9 =	sor.u32 $0xD0000000, s2;
	s6 =	simm.s32 $0x108;
	_ =	swait.ge @!p0 [sflag:s8], $0x0  }
0x24: {  	s3 =	sadd.s32 $0x88, s3;
	s6 =	simm.s32 @!p1 $0x1082;
	[sflag:s4] =	ssyncset.s32 $0xFFFFF086  }
0x25: {  	[simem:s6], [sflag:s4] =	dma.local [hbm:s3], $0xF7A  }
0x26: {  	[smem:$0x3F9D] =	sst s1;
	(tag) =	ssettag s2;
	_ =	strace s9  }
0x27: {  	s1 =	sld [smem:$0x3FAD]  }
0x28: {  	s2 =	sld [smem:$0x3FAE]  }
0x29: {  	s4 =	sld [smem:$0x3FB0]  }
0x2a: {  	p0 =	seq.s32 s5, $0x0;
	s5 =	sld [smem:$0x3FB1]  }
0x2b: {  	s6 =	sld [smem:$0x3FB2]  }
0x2c: {  	s7 =	sld [smem:$0x3FB3]  }
0x2d: {  	s3 =	simm.s32 $0x108;
	s8 =	sld [smem:$0x3FB4]  }
0x2e: {  	s3 =	simm.s32 @!p0 $0x1082;
	s9 =	sld [smem:$0x3FB5]  }
0x2f: {  	lr =	sadd.s32 s0, s3;
	s0 =	sld [smem:$0x3FAC]  }
0x30: {  	s3 =	sld [smem:$0x3FAF]  }
0x31: {  	[smem:$0x3FB8] =	sst s10  }
0x32: {  	s10 =	sld [smem:$0x3FB6];
	_ =	sdelay $0x3  }
0x33: {  	p0 =	seq.s32 s10, $0x1;
	s10 =	sld [smem:$0x3FB8];
	_ =	sdelay $0x3  }
0x34: {  	[smem:$0x3FB8] =	sst s10  }
0x35: {  	s10 =	sld [smem:$0x3FB7];
	_ =	sdelay $0x3  }
0x36: {  	p1 =	seq.s32 s10, $0x1;
	s10 =	sld [smem:$0x3FB8];
	_ =	sdelay $0x3  }
0x37: {  	[smem:$0x3FB8] =	sst s10  }
0x38: {  	s10 =	sld [smem:$0x3FB9]  }
0x39: {  	_ = 	snop;
	(pc) =	sbr.ind lr, $3  }
0x3a: {  	_ = 	snop  }
0x3b: {  	_ = 	snop  }
0x3c: {  	p2 =	seq.s32 s10, $0x1;
	s10 =	sld [smem:$0x3FB8]  }
0x3d: {  	_ =	shalt  }
0x3e: {  	_ =	shalt  }
0x3f: {  	_ =	shalt  }
0x40: {  	_ =	shalt  }
0x41: {  	_ =	shalt  }
0x42: {  	_ =	shalt  }
0x43: {  	_ =	shalt  }
0x44: {  	_ =	shalt  }
0x45: {  	_ =	shalt  }
0x46: {  	_ =	shalt  }
0x47: {  	_ =	shalt  }
0x48: {  	_ =	shalt  }
0x49: {  	_ =	shalt  }
0x4a: {  	_ =	shalt  }
0x4b: {  	_ =	shalt  }
0x4c: {  	_ =	shalt  }
0x4d: {  	_ =	shalt  }
0x4e: {  	_ =	shalt  }
0x4f: {  	_ =	shalt  }
0x50: {  	_ =	shalt  }
0x51: {  	_ =	shalt  }
0x52: {  	_ =	shalt  }
0x53: {  	_ =	shalt  }
0x54: {  	_ =	shalt  }
0x55: {  	_ =	shalt  }
0x56: {  	_ =	shalt  }
0x57: {  	_ =	shalt  }
0x58: {  	_ =	shalt  }
0x59: {  	_ =	shalt  }
0x5a: {  	_ =	shalt  }
0x5b: {  	_ =	shalt  }
0x5c: {  	_ =	shalt  }
0x5d: {  	_ =	shalt  }
0x5e: {  	_ =	shalt  }
0x5f: {  	_ =	shalt  }
0x60: {  	_ =	shalt  }
0x61: {  	_ =	shalt  }
0x62: {  	_ =	shalt  }
0x63: {  	_ =	shalt  }
0x64: {  	_ =	shalt  }
0x65: {  	_ =	shalt  }
0x66: {  	_ =	shalt  }
0x67: {  	_ =	shalt  }
0x68: {  	_ =	shalt  }
0x69: {  	_ =	shalt  }
0x6a: {  	_ =	shalt  }
0x6b: {  	_ =	shalt  }
0x6c: {  	_ =	shalt  }
0x6d: {  	_ =	shalt  }
0x6e: {  	_ =	shalt  }
0x6f: {  	_ =	shalt  }
0x70: {  	_ =	shalt  }
0x71: {  	_ =	shalt  }
0x72: {  	_ =	shalt  }
0x73: {  	_ =	shalt  }
0x74: {  	_ =	shalt  }
0x75: {  	_ =	shalt  }
0x76: {  	_ =	shalt  }
0x77: {  	_ =	shalt  }
0x78: {  	_ =	shalt  }
0x79: {  	_ =	shalt  }
0x7a: {  	_ =	shalt  }
0x7b: {  	_ =	shalt  }
0x7c: {  	_ =	shalt  }
0x7d: {  	_ =	shalt  }
0x7e: {  	_ =	shalt  }
0x7f: {  	_ =	shalt  }
0x80: {  	_ =	shalt  }
0x81: {  	_ =	shalt  }
0x82: {  	_ =	shalt  }
0x83: {  	_ =	shalt  }
0x84: {  	_ =	shalt  }
0x85: {  	_ =	shalt  }
0x86: {  	_ =	shalt  }
0x87: {  	_ =	shalt  }
.Lfunc_end0:
.L_simem_size_0:
called_computation.1_lowered:
.L_overlay_start_0:
0x88: {  	s2 =	sld [smem:$0x3FD9]  }
0x89: {  	s3 =	sld [smem:$0x3FFE];
	_ =	sdelay $0x1  }
0x8a: {  	s1 =	srdreg.scid  }
0x8b: {  	s0 =	sand.u32 $0x1, s1  }
0x8c: {  	s15 =	sshll.u32 s0, $0xA;
	s2 =	sadd.s32 s3, s2  }
0x8d: {  	s2 =	sadd.s32 s2, s15  }
0x8e: {  	[smem:$0x3FC4] =	sst s2  }
0x8f: {  	_ = 	snop  }
0x90: {  	s2 =	sld [smem:$0x3FD0];
	_ =	sdelay $0x2  }
0x91: {  	s4 =	simm.s32 $0xB;
	s16 =	simm.s32 $0x10  }
0x92: {  	[smem:s16], [sflag:s4] =	dma.local [hbm:s2], $0x1  }
0x93: {  	_ =	swait.eq [sflag:s4], $0x1  }
0x94: {  	[sflag:s4] =	ssyncset.done $0x0  }
0x95: {  	s17 =	sld [smem:$0x10];
	[sflag:s4] =	ssyncadd.s32 $0xFFFFFFFF  }
0x96: {  	s18 =	sld [smem:$0x12];
	(tm) =	ssettm $0x1  }
0x97: {  	s19 =	sld [smem:$0x3FFB];
	_ =	sdelay $0x3  }
0x98: {  	_ =	strace s19  }
0x99: {  	s2 =	sld [smem:$0x3FFC];
	_ =	sdelay $0x3  }
0x9a: {  	_ =	strace s2  }
0x9b: {  	s2 =	sld [smem:$0x3FFD];
	_ =	sdelay $0x3  }
0x9c: {  	_ =	strace s2  }
0x9d: {  	_ =	strace $0x8FFFFFFF  }
0x9e: {  	s20 =	sld [smem:$0x3FDB];
	_ =	sdelay $0x1  }
0x9f: {  	s5 =	simm.s32 $_scs_section_size  }
0xa0: {  	s6 =	simm.s32 $_size__tile_overlayer_lowered;
	s7 =	simm.s32 $_tile_overlayer_lowered  }
0xa1: {  	s8 =	simm.s32 $0x1BFF;
	s21 =	sshll.u32 s7, $0x1;
	s5 =	sadd.s32 s5, s20  }
0xa2: {  	s22 =	simm.s32 $0x0;
	s6 =	sshll.u32 s6, $0x1;
	s7 =	sadd.s32 s21, s5  }
0xa3: {  	[timem:s22], [sflag:s8] =	dma.local [hbm:s7], s6  }
0xa4: {  	_ =	swait.ge [sflag:s8], s6  }
0xa5: {  	s6 =	ssub.s32 $0x0, s6;
	[sflag:s8] =	ssyncset.done $0x0  }
0xa6: {  	[sflag:s8] =	ssyncadd.s32 s6;
	_ =	sdelay $0x1  }
0xa7: {  	s23 =	simm.s32 $0x1B8B  }
0xa8: {  	_ =	swait.ge [sflag:s23], $0x1  }
0xa9: {  	[sflag:s23] =	ssyncset.done $0x0  }
0xaa: {  	[sflag:s23] =	ssyncadd.s32 $0xFFFFFFFF  }
0xab: {  	s6 =	sld [smem:$0x0]  }
0xac: {  	s7 =	sand.u32 $0xFFFFFFFE, s1  }
0xad: {  	p0 =	sne.s32 s1, s7  }
0xae: {  	s7 =	sshll.u32 @p0 s7, $0xE  }
0xaf: {  	s7 =	sadd.s32 @p0 $0x11B8D, s7;
	s8 =	sshll.u32 @p0 s6, $0x11  }
0xb0: {  	s7 =	sor.u32 @p0 s8, s7  }
0xb1: {  	[sflag:s7] =	ssyncadd.remote.s32 @p0 $0x1;
	_ =	sdelay $0x1  }
0xb2: {  	s7 =	simm.s32 @p0 $0x1B8D  }
0xb3: {  	_ =	swait.eq @p0 [sflag:s7], $0x1  }
0xb4: {  	[sflag:s7] =	ssyncadd.s32 @p0 $0xFFFFFFFF  }
0xb5: {  	s8 =	sshll.u32 @!p0 s1, $0xE  }
0xb6: {  	s8 =	sor.u32 @!p0 $0x4000, s8;
	s7 =	simm.s32 @!p0 $0x1B8D  }
0xb7: {  	s6 =	sshll.u32 @!p0 s6, $0x11;
	s8 =	sadd.s32 @!p0 $0x11B8D, s8;
	_ =	swait.eq @!p0 [sflag:s7], $0x1  }
0xb8: {  	s6 =	sor.u32 @!p0 s6, s8;
	[sflag:s7] =	ssyncadd.s32 @!p0 $0xFFFFFFFF  }
0xb9: {  	s25 =	simm.s32 $0x1B8E;
	s24 =	sld [smem:$0x3FFE];
	[sflag:s6] =	ssyncadd.remote.s32 @!p0 $0x1  }
0xba: {  	s26 =	simm.s32 $execute0_lowered;
	[smem:$0x3FD2] =	sst s25  }
0xbb: {  	s7 =	sshll.u32 s26, $0x1;
	_ =	strace $0x80000049;
	[dreg:$0x1] =	wrdreg $0xFFFFFFFF  }
0xbc: {  	s28 =	simm.s32 $_size_execute0_lowered;
	s5 =	sadd.s32 s5, s7;
	[dreg:$0x0] =	wrdreg $0x0  }
0xbd: {  	s7 =	sshll.u32 s28, $0x1;
	[dreg:$0x2] =	wrdreg s5  }
0xbe: {  	[dreg:$0x3] =	wrdreg s7  }
0xbf: {  	[dreg:$0x4] =	wrdreg $0xC0  }
0xc0: {  	_ =	task [dreg:s22], $0x5FFFF  }
0xc1: {  	[dreg:$0x1] =	wrdreg $0xFFFFFFFF  }
0xc2: {  	[dreg:$0x0] =	wrdreg $0x60  }
0xc3: {  	[dreg:$0x2] =	wrdreg s24  }
0xc4: {  	[dreg:$0x3] =	wrdreg s17  }
0xc5: {  	[dreg:$0x4] =	wrdreg s18  }
0xc6: {  	[dreg:$0x5] =	wrdreg $0xA  }
0xc7: {  	_ =	task.clear_ibuf [dreg:s22], $0x6FFFF;
	_ =	strace $0x90000049  }
0xc8: {  	s29 =	simm.s32 $0xA;
	_ =	strace $0x8000004B  }
0xc9: {  	_ =	swait.ge [sflag:s29], $0x1  }
0xca: {  	[sflag:s29] =	ssyncadd.s32 $0xFFFFFFFF  }
0xcb: {  	_ =	strace $0x9000004B  }
0xcc: {  	_ =	sfence  }
0xcd: {  	s30 =	sld [smem:$0x0];
	_ =	sdelay $0x2  }
0xce: {  	s31 =	sshll.u32 s1, $0xD;
	s1 =	sshrl.u32 s1, $0x2  }
0xcf: {  	s4 =	sand.u32 $0x4000, s31;
	s1 =	sadd.s32 s1, s30  }
0xd0: {  	s0 =	sor.u32 s4, s0;
	s1 =	sshll.u32 s1, $0x11  }
0xd1: {  	s0 =	sor.u32 s1, s0  }
0xd2: {  	s0 =	sadd.s32 $0x8F2B, s0  }
0xd3: {  	[sflag:s0] =	ssyncadd.remote.s32 $0x1  }
0xd4: {  	_ =	sfence.sel $0xFFFF  }
0xd5: {  	[dreg:$0x0] =	wrdreg $0xFFFFFFFF;
	(pc) =	sbr.abs _section_cstart, $3  }
0xd6: {  	[dreg:$0x1] =	wrdreg $0xFFFFFFFF  }
0xd7: {  	_ =	task.clear_ibuf [dreg:s22], $0x2FFFF;
	_ =	strace $0x9FFFFFFF  }
0xd8: {  	(tm) =	ssettm $0x7FFFFFFF  }
0xd9: {  	_ =	shalt  }
tec
execute0_lowered:
.L_overlay_start_1:
0x0: {  	(tag) =	ssettag $0x1  }
0x1: {  	s2 =	rddreg [dreg:$0x0]  }
0x2: {  	s6 =	rddreg [dreg:$0x1]  }
0x3: {  	s7 =	rddreg [dreg:$0x2]  }
0x4: {  	s0 =	rddreg [dreg:$0x3];
	s1 =	simm.s32 $0x0  }
0x5: {  	s3 =	srdreg.scid;
	s11 =	simm.s32 $0x80;
	s12 =	simm.s32 $0x4200  }
0x6: {  	s13 =	simm.s32 $0x4080;
	s14 =	simm.s32 $0x8200;
	s15 =	simm.s32 $0x4100  }
0x7: {  	s17 =	simm.s32 $0x4180;
	s18 =	simm.s32 $0x10200;
	s20 =	simm.s32 $0x1  }
0x8: {  	s21 =	simm.s32 $0x0;
	[smem:$0x7FF] =	sst s1;
	s5 =	sand.u32 $0x1, s3  }
0x9: {  	s3 =	sadd.s32 $0x62C00, s2;
	s4 =	sadd.s32 $0x2000, s2;
	s2 =	stileid.u32  }
0xa: {  	_ =	strace $0x8000004A;
	s8 =	ssub.s32 $0x2, s5;
	s29 =	sshll.u32 s2, $0x1  }
0xb: {  	s10 =	sshll.u32 s5, $0x6;
	s30 =	sshll.u32 s2, $0x7;
	s9 =	sshrl.u32 s8, $0x1  }
0xc: {  	s10 =	sadd.s32 s3, s10;
	s8 =	ssub.s32 s8, s9;
	s9 =	sor.u32 s5, s29  }
0xd: {  	s5 =	sadd.s32 s30, s10;
	s10 =	simm.s32 $0x4000;
	s16 =	sshll.u32 s9, $0x8  }
0xe: {  	s31 =	sshll.u32 s9, $0xD;
	s9 =	sshll.u32 s9, $0x5;
	s8 =	smax.u32 s8, $0x1  }
0xf: {  	v2 =	vimm.f32 $0.0e+00;
	s19 =	sadd.s32 $0x100, s16;
	s6 =	sadd.s32 s6, s31;
	s7 =	sadd.s32 s7, s9  }
0x10: {  	v3 =	vimm.f32 $1.000000000e+00;
	s9 =	simm.s32 $0x2;
	v0 =	vmov s16;
	s16 =	simm.s32 $0xC200;
	v1 =	vmov s19;
	s19 =	simm.s32 $0x14200  }
.LBB2_1:
0x11: {  	[tilespmem:s1], [sflag:$0x2] =	stream.linear.gather [hbm4b:s3+s1], $0x4000, $0x38;
	[tilespmem:$0x14300] =	vst v63  }
0x12: {  	_ =	swait.ge [sflag:s9], $0x4000  }
0x13: {  	[sflag:s9] =	ssyncset.done $0x0  }
0x14: {  	[sflag:s9] =	ssyncadd.s32 $0xFFFFC000  }
0x15: {  	[tilespmem:s10], [sflag:$0x2] =	stream.linear.gather [hbm4b:s5+s1], $0x200, $0x38;
	[tilespmem:$0x14300] =	vst v63  }
0x16: {  	_ =	swait.ge [sflag:s9], $0x200  }
0x17: {  	[sflag:s9] =	ssyncset.done $0x0  }
0x18: {  	[sflag:s9] =	ssyncadd.s32 $0xFFFFFE00  }
0x19: {  	[tilespmem:$0x14200] =	vst v2  }
0x1a: {  	[tilespmem:$0x14210] =	vst v2  }
0x1b: {  	[tilespmem:$0x14220] =	vst v2  }
0x1c: {  	[tilespmem:$0x14230] =	vst v2  }
0x1d: {  	[tilespmem:$0x14240] =	vst v2  }
0x1e: {  	[tilespmem:$0x14250] =	vst v2  }
0x1f: {  	[tilespmem:$0x14260] =	vst v2  }
0x20: {  	[tilespmem:$0x14270] =	vst v2  }
0x21: {  	[tilespmem:$0x14280] =	vst v2  }
0x22: {  	[tilespmem:$0x14290] =	vst v2  }
0x23: {  	[tilespmem:$0x142A0] =	vst v2  }
0x24: {  	[tilespmem:$0x142B0] =	vst v2  }
0x25: {  	[tilespmem:$0x142C0] =	vst v2  }
0x26: {  	[tilespmem:$0x142D0] =	vst v2  }
0x27: {  	[tilespmem:$0x142E0] =	vst v2  }
0x28: {  	[tilespmem:$0x142F0] =	vst v2  }
0x29: {  	[tilespmem:s12], [sflag:$0x1] =	stream.indirect.gather [hbm4b:s4+s11], $0x80, s10, s11, $0xb8;
	[tilespmem:$0x14300] =	vst v63  }
0x2a: {  	_ = 	snop  }
0x2b: {  	[tilespmem:s14], [sflag:$0x1] =	stream.indirect.gather [hbm4b:s4+s11], $0x80, s13, s11, $0xb8;
	[tilespmem:$0x14300] =	vst v63  }
0x2c: {  	_ = 	snop  }
0x2d: {  	[tilespmem:s16], [sflag:$0x1] =	stream.indirect.gather [hbm4b:s4+s11], $0x80, s15, s11, $0xb8;
	[tilespmem:$0x14300] =	vst v63  }
0x2e: {  	s22 =	simm.s32 $0x0  }
0x2f: {  	[tilespmem:s18], [sflag:$0x1] =	stream.indirect.gather [hbm4b:s4+s11], $0x80, s17, s11, $0xb8;
	[tilespmem:$0x14300] =	vst v63  }
.LBB2_2:
0x30: {  	s23 =	sshra.s32 s22, $0x2  }
0x31: {  	v4 =	vld [tilespmem:s23+$0x0];
	_ =	sdelay $0x4  }
0x32: {  	vm0 =	vge.s32 v4, v0;
	vm1 =	vlt.s32 v4, v1;
	v5 =	vsub.s32 v4, v0  }
0x33: {  	v4 =	vand.u32 $0x7F, v4;
	vm0 =	vmand vm0, vm1;
	v5 =	vand.u32 $0xFFFFFF80, v5  }
0x34: {  	v4 =	vor.u32 v4, v5;
	_ =	sdelay $0x4  }
0x35: {  	[tilespmem:v4+s19+$0x0] =	vst.idx.add.f32.msk vm0, v3  }
0x36: {  	v4 =	vld [tilespmem:s23+$0x10];
	_ =	sdelay $0x4  }
0x37: {  	vm14 =	vge.s32 v4, v0;
	vm15 =	vlt.s32 v4, v1;
	v5 =	vsub.s32 v4, v0  }
0x38: {  	v4 =	vand.u32 $0x7F, v4;
	vm0 =	vmand vm14, vm15;
	v5 =	vand.u32 $0xFFFFFF80, v5  }
0x39: {  	v4 =	vor.u32 v4, v5;
	_ =	sdelay $0x4  }
0x3a: {  	[tilespmem:v4+s19+$0x0] =	vst.idx.add.f32.msk vm0, v3  }
0x3b: {  	v4 =	vld [tilespmem:s23+$0x20];
	_ =	sdelay $0x4  }
0x3c: {  	vm4 =	vge.s32 v4, v0;
	vm5 =	vlt.s32 v4, v1;
	v5 =	vsub.s32 v4, v0  }
0x3d: {  	v4 =	vand.u32 $0x7F, v4;
	vm0 =	vmand vm4, vm5;
	v5 =	vand.u32 $0xFFFFFF80, v5  }
0x3e: {  	v4 =	vor.u32 v4, v5;
	_ =	sdelay $0x4  }
0x3f: {  	[tilespmem:v4+s19+$0x0] =	vst.idx.add.f32.msk vm0, v3  }
0x40: {  	v4 =	vld [tilespmem:s23+$0x30];
	_ =	sdelay $0x4  }
0x41: {  	vm6 =	vge.s32 v4, v0;
	vm7 =	vlt.s32 v4, v1;
	v5 =	vsub.s32 v4, v0  }
0x42: {  	v4 =	vand.u32 $0x7F, v4;
	vm0 =	vmand vm6, vm7;
	v5 =	vand.u32 $0xFFFFFF80, v5  }
0x43: {  	v4 =	vor.u32 v4, v5;
	_ =	sdelay $0x4  }
0x44: {  	[tilespmem:v4+s19+$0x0] =	vst.idx.add.f32.msk vm0, v3  }
0x45: {  	v4 =	vld [tilespmem:s23+$0x40];
	_ =	sdelay $0x4  }
0x46: {  	vm8 =	vge.s32 v4, v0;
	vm9 =	vlt.s32 v4, v1;
	v5 =	vsub.s32 v4, v0  }
0x47: {  	v4 =	vand.u32 $0x7F, v4;
	vm0 =	vmand vm8, vm9;
	v5 =	vand.u32 $0xFFFFFF80, v5  }
0x48: {  	v4 =	vor.u32 v4, v5;
	_ =	sdelay $0x4  }
0x49: {  	[tilespmem:v4+s19+$0x0] =	vst.idx.add.f32.msk vm0, v3  }
0x4a: {  	v4 =	vld [tilespmem:s23+$0x50];
	_ =	sdelay $0x4  }
0x4b: {  	vm10 =	vge.s32 v4, v0;
	vm11 =	vlt.s32 v4, v1;
	v5 =	vsub.s32 v4, v0  }
0x4c: {  	v4 =	vand.u32 $0x7F, v4;
	vm0 =	vmand vm10, vm11;
	v5 =	vand.u32 $0xFFFFFF80, v5  }
0x4d: {  	v4 =	vor.u32 v4, v5;
	_ =	sdelay $0x4  }
0x4e: {  	[tilespmem:v4+s19+$0x0] =	vst.idx.add.f32.msk vm0, v3  }
0x4f: {  	v4 =	vld [tilespmem:s23+$0x60];
	_ =	sdelay $0x4  }
0x50: {  	vm12 =	vge.s32 v4, v0;
	vm13 =	vlt.s32 v4, v1;
	v5 =	vsub.s32 v4, v0  }
0x51: {  	v4 =	vand.u32 $0x7F, v4;
	vm0 =	vmand vm12, vm13;
	v5 =	vand.u32 $0xFFFFFF80, v5  }
0x52: {  	v4 =	vor.u32 v4, v5;
	_ =	sdelay $0x4  }
0x53: {  	[tilespmem:v4+s19+$0x0] =	vst.idx.add.f32.msk vm0, v3  }
0x54: {  	v4 =	vld [tilespmem:s23+$0x70];
	_ =	sdelay $0x4  }
0x55: {  	vm14 =	vge.s32 v4, v0;
	vm15 =	vlt.s32 v4, v1;
	v5 =	vsub.s32 v4, v0  }
0x56: {  	v4 =	vand.u32 $0x7F, v4;
	vm0 =	vmand vm14, vm15;
	v5 =	vand.u32 $0xFFFFFF80, v5  }
0x57: {  	p0 =	sne.s32 s22, $0xFE00;
	v4 =	vor.u32 v4, v5  }
.Ltmp0:
0x58: {  	_ = 	snop;
	(pc) =	sbr.rel @p0 .LBB2_2-.Ltmp0, $2  }
0x59: {  	_ =	sdelay $0x2  }
0x5a: {  	s22 =	sadd.s32 $0x200, s22;
	[tilespmem:v4+s19+$0x0] =	vst.idx.add.f32.msk vm0, v3  }
0x5b: {  	_ =	swait.ge [sflag:s20], $0x4000  }
0x5c: {  	[sflag:s20] =	ssyncset.done $0x0  }
0x5d: {  	[sflag:s20] =	ssyncadd.s32 $0xFFFFC000  }
0x5e: {  	_ =	swait.ge [sflag:s20], $0x4000  }
0x5f: {  	[sflag:s20] =	ssyncset.done $0x0  }
0x60: {  	[sflag:s20] =	ssyncadd.s32 $0xFFFFC000  }
0x61: {  	_ =	swait.ge [sflag:s20], $0x4000  }
0x62: {  	[sflag:s20] =	ssyncset.done $0x0  }
0x63: {  	[sflag:s20] =	ssyncadd.s32 $0xFFFFC000  }
0x64: {  	_ =	swait.ge [sflag:s20], $0x4000  }
0x65: {  	[sflag:s20] =	ssyncset.done $0x0  }
0x66: {  	[sflag:s20] =	ssyncadd.s32 $0xFFFFC000  }
0x67: {  	[hbm4b:s6+s1] =	stream.linear.scatter [tilespmem:s12], [sflag:$0x2], $0x10000, $0x38;
	[tilespmem:$0x14300] =	vst v63  }
0x68: {  	s21 =	sadd.s32 $0x1, s21;
	_ =	swait.ge [sflag:s9], $0x10000  }
0x69: {  	p0 =	sne.s32 s21, s8;
	[sflag:s9] =	ssyncset.done $0x0  }
.Ltmp1:
0x6a: {  	[sflag:s9] =	ssyncadd.s32 $0xFFFF0000;
	(pc) =	sbr.rel @p0 .LBB2_1-.Ltmp1, $4  }
0x6b: {  	[hbm4b:s7+s1] =	stream.linear.scatter [tilespmem:s19], [sflag:$0x2], $0x100, $0x38;
	[tilespmem:$0x14300] =	vst v63  }
0x6c: {  	_ =	swait.ge [sflag:s9], $0x100  }
0x6d: {  	[sflag:s9] =	ssyncset.done $0x0  }
0x6e: {  	[sflag:s9] =	ssyncadd.s32 $0xFFFFFF00  }
0x6f: {  	_ =	sfence.sel $0x180000  }
0x70: {  	[bflag:$0x0] =	sbarrier.arrive $0xFFFF  }
0x71: {  	p0 =	sne.s32 s2, $0x0;
	_ =	strace $0x9000004A  }
0x72: {  	s0 =	sadd.s32 @!p0 $0x100000, s0;
	[bflag:$0x2] =	sbarrier.arrive $0xFFFF  }
0x73: {  	[sflag:s0] =	ssyncadd.tile.s32 @!p0 $0x1;
	_ =	shalt  }
.Lfunc_end2:
_tile_overlayer_lowered:
.L_overlay_start_2:
0x74: {  	(tag) =	ssettag $0x2  }
0x75: {  	s0 =	rddreg [dreg:$0x0];
	s2 =	stileid.u32  }
0x76: {  	s1 =	rddreg [dreg:$0x1];
	p0 =	sne.s32 s2, $0x0  }
0x77: {  	s3 =	rddreg [dreg:$0x2];
	[bflag:$0x3] =	sbarrier.arrive $0xFFFF;
	s2 =	simm.s32 @!p0 $0x1C02  }
0x78: {  	[timem:s3], [sflag:s2] =	dma.local @!p0 [hbm:s0], s1  }
0x79: {  	s0 =	simm.s32 @!p0 $0x2  }
0x7a: {  	_ =	swait.ge @!p0 [sflag:s0], s1  }
0x7b: {  	s1 =	ssub.s32 @!p0 $0x0, s1;
	[sflag:s0] =	ssyncset.done @!p0 $0x0  }
0x7c: {  	[sflag:s0] =	ssyncadd.s32 @!p0 s1  }
0x7d: {  	[bflag:$0x3] =	sbarrier.arrive $0xFFFF  }
0x7e: {  	_ =	shalt  }

// kernel: kernel.8.cloned.1.call-start
scs
__scs_entry_jumppad:
0x0: {  	(pc) =	sbr.rel $0x88, $3  }
0x1: {  	(tag) =	ssettag $0x0;
	lr =	simm.s32 $0x1  }
0x2: {  	[smem:$0x3F9D] =	sst lr;
	_ =	strace $0xD0000000  }
0x3: {  	_ = 	snop  }
0x4: {  	_ = 	snop  }
0x5: {  	_ = 	snop  }
0x6: {  	_ = 	snop  }
0x7: {  	_ = 	snop  }
__scs_overlays_trampoline_lowered:
0x8: {  	[smem:$0x3FAC] =	sst s0  }
0x9: {  	[smem:$0x3FAD] =	sst s1  }
0xa: {  	[smem:$0x3FAE] =	sst s2  }
0xb: {  	[smem:$0x3FAF] =	sst s3  }
0xc: {  	[smem:$0x3FB0] =	sst s4  }
0xd: {  	[smem:$0x3FB1] =	sst s5  }
0xe: {  	[smem:$0x3FB2] =	sst s6  }
0xf: {  	[smem:$0x3FB3] =	sst s7  }
0x10: {  	[smem:$0x3FB4] =	sst s8  }
0x11: {  	[smem:$0x3FB5] =	sst s9;
	s0 =	simm.s32 @!p0 $0x0  }
0x12: {  	s1 =	sld [smem:$0x3F9B];
	s0 =	simm.s32 @p0 $0x1  }
0x13: {  	[smem:$0x3FB6] =	sst s0;
	s0 =	simm.s32 @!p1 $0x0  }
0x14: {  	s2 =	sld [smem:$0x3F9A];
	s0 =	simm.s32 @p1 $0x1  }
0x15: {  	[smem:$0x3FB7] =	sst s0;
	s0 =	simm.s32 @!p2 $0x0  }
0x16: {  	s3 =	sld [smem:$0x3FDB];
	s0 =	simm.s32 @p2 $0x1  }
0x17: {  	s4 =	simm.s32 $0x1BF5;
	[smem:$0x3FB9] =	sst s0  }
0x18: {  	s0 =	sld [smem:$0x3F9C];
	_ =	swait.ge [sflag:s4], $0x0  }
0x19: {  	s7 =	sld [smem:$0x3F9D]  }
0x1a: {  	s8 =	sadd.s32 $0xFFFFE003, lr  }
0x1b: {  	s9 =	sadd.s32 $0xFFFFFEF7, lr;
	s5 =	simm.s32 $0xFFFFFFFF;
	p2 =	slt.u32 s8, $0xFFFFF086  }
0x1c: {  	p1 =	slt.u32 s9, $0xF7A;
	s5 =	simm.s32 @!p2 $0x0  }
0x1d: {  	s5 =	simm.s32 @p1 $0x1;
	p0 =	seq.s32 s7, s2  }
0x1e: {  	s7 =	smul.u32 @!p0 $0xF7A, s2;
	p2 =	seq.s32 @!p0 s5, $0x0  }
0x1f: {  	s9 =	smul.u32 $0xF7A, s1;
	s8 =	simm.s32 @!p0 $0x1BF5;
	p2 =	por !p2, p0  }
0x20: {  	[sflag:s8] =	ssyncset.s32 @!p0 $0xFFFFF086;
	s6 =	sadd.s32 @!p0 s3, s7;
	s7 =	simm.s32 @!p0 $0x108  }
0x21: {  	s3 =	sadd.s32 s3, s9;
	s6 =	sadd.s32 @!p0 $0x88, s6;
	s7 =	simm.s32 @p2 $0x1082  }
0x22: {  	[simem:s7], [sflag:s8] =	dma.local @!p0 [hbm:s6], $0xF7A  }
0x23: {  	s9 =	sor.u32 $0xD0000000, s2;
	s6 =	simm.s32 $0x108;
	_ =	swait.ge @!p0 [sflag:s8], $0x0  }
0x24: {  	s3 =	sadd.s32 $0x88, s3;
	s6 =	simm.s32 @!p1 $0x1082;
	[sflag:s4] =	ssyncset.s32 $0xFFFFF086  }
0x25: {  	[simem:s6], [sflag:s4] =	dma.local [hbm:s3], $0xF7A  }
0x26: {  	[smem:$0x3F9D] =	sst s1;
	(tag) =	ssettag s2;
	_ =	strace s9  }
0x27: {  	s1 =	sld [smem:$0x3FAD]  }
0x28: {  	s2 =	sld [smem:$0x3FAE]  }
0x29: {  	s4 =	sld [smem:$0x3FB0]  }
0x2a: {  	p0 =	seq.s32 s5, $0x0;
	s5 =	sld [smem:$0x3FB1]  }
0x2b: {  	s6 =	sld [smem:$0x3FB2]  }
0x2c: {  	s7 =	sld [smem:$0x3FB3]  }
0x2d: {  	s3 =	simm.s32 $0x108;
	s8 =	sld [smem:$0x3FB4]  }
0x2e: {  	s3 =	simm.s32 @!p0 $0x1082;
	s9 =	sld [smem:$0x3FB5]  }
0x2f: {  	lr =	sadd.s32 s0, s3;
	s0 =	sld [smem:$0x3FAC]  }
0x30: {  	s3 =	sld [smem:$0x3FAF]  }
0x31: {  	[smem:$0x3FB8] =	sst s10  }
0x32: {  	s10 =	sld [smem:$0x3FB6];
	_ =	sdelay $0x3  }
0x33: {  	p0 =	seq.s32 s10, $0x1;
	s10 =	sld [smem:$0x3FB8];
	_ =	sdelay $0x3  }
0x34: {  	[smem:$0x3FB8] =	sst s10  }
0x35: {  	s10 =	sld [smem:$0x3FB7];
	_ =	sdelay $0x3  }
0x36: {  	p1 =	seq.s32 s10, $0x1;
	s10 =	sld [smem:$0x3FB8];
	_ =	sdelay $0x3  }
0x37: {  	[smem:$0x3FB8] =	sst s10  }
0x38: {  	s10 =	sld [smem:$0x3FB9]  }
0x39: {  	_ = 	snop;
	(pc) =	sbr.ind lr, $3  }
0x3a: {  	_ = 	snop  }
0x3b: {  	_ = 	snop  }
0x3c: {  	p2 =	seq.s32 s10, $0x1;
	s10 =	sld [smem:$0x3FB8]  }
0x3d: {  	_ =	shalt  }
0x3e: {  	_ =	shalt  }
0x3f: {  	_ =	shalt  }
0x40: {  	_ =	shalt  }
0x41: {  	_ =	shalt  }
0x42: {  	_ =	shalt  }
0x43: {  	_ =	shalt  }
0x44: {  	_ =	shalt  }
0x45: {  	_ =	shalt  }
0x46: {  	_ =	shalt  }
0x47: {  	_ =	shalt  }
0x48: {  	_ =	shalt  }
0x49: {  	_ =	shalt  }
0x4a: {  	_ =	shalt  }
0x4b: {  	_ =	shalt  }
0x4c: {  	_ =	shalt  }
0x4d: {  	_ =	shalt  }
0x4e: {  	_ =	shalt  }
0x4f: {  	_ =	shalt  }
0x50: {  	_ =	shalt  }
0x51: {  	_ =	shalt  }
0x52: {  	_ =	shalt  }
0x53: {  	_ =	shalt  }
0x54: {  	_ =	shalt  }
0x55: {  	_ =	shalt  }
0x56: {  	_ =	shalt  }
0x57: {  	_ =	shalt  }
0x58: {  	_ =	shalt  }
0x59: {  	_ =	shalt  }
0x5a: {  	_ =	shalt  }
0x5b: {  	_ =	shalt  }
0x5c: {  	_ =	shalt  }
0x5d: {  	_ =	shalt  }
0x5e: {  	_ =	shalt  }
0x5f: {  	_ =	shalt  }
0x60: {  	_ =	shalt  }
0x61: {  	_ =	shalt  }
0x62: {  	_ =	shalt  }
0x63: {  	_ =	shalt  }
0x64: {  	_ =	shalt  }
0x65: {  	_ =	shalt  }
0x66: {  	_ =	shalt  }
0x67: {  	_ =	shalt  }
0x68: {  	_ =	shalt  }
0x69: {  	_ =	shalt  }
0x6a: {  	_ =	shalt  }
0x6b: {  	_ =	shalt  }
0x6c: {  	_ =	shalt  }
0x6d: {  	_ =	shalt  }
0x6e: {  	_ =	shalt  }
0x6f: {  	_ =	shalt  }
0x70: {  	_ =	shalt  }
0x71: {  	_ =	shalt  }
0x72: {  	_ =	shalt  }
0x73: {  	_ =	shalt  }
0x74: {  	_ =	shalt  }
0x75: {  	_ =	shalt  }
0x76: {  	_ =	shalt  }
0x77: {  	_ =	shalt  }
0x78: {  	_ =	shalt  }
0x79: {  	_ =	shalt  }
0x7a: {  	_ =	shalt  }
0x7b: {  	_ =	shalt  }
0x7c: {  	_ =	shalt  }
0x7d: {  	_ =	shalt  }
0x7e: {  	_ =	shalt  }
0x7f: {  	_ =	shalt  }
0x80: {  	_ =	shalt  }
0x81: {  	_ =	shalt  }
0x82: {  	_ =	shalt  }
0x83: {  	_ =	shalt  }
0x84: {  	_ =	shalt  }
0x85: {  	_ =	shalt  }
0x86: {  	_ =	shalt  }
0x87: {  	_ =	shalt  }
.Lfunc_end0:
.L_simem_size_0:
called_computation_lowered:
.L_overlay_start_0:
0x88: {  	s2 =	sld [smem:$0x3FD9]  }
0x89: {  	s3 =	sld [smem:$0x3FFE];
	_ =	sdelay $0x1  }
0x8a: {  	s1 =	srdreg.scid  }
0x8b: {  	s0 =	sand.u32 $0x1, s1  }
0x8c: {  	s16 =	sshll.u32 s0, $0xA;
	s2 =	sadd.s32 s3, s2  }
0x8d: {  	s2 =	sadd.s32 s2, s16  }
0x8e: {  	[smem:$0x3FC4] =	sst s2  }
0x8f: {  	_ = 	snop  }
0x90: {  	(tm) =	ssettm $0x1  }
0x91: {  	s17 =	sld [smem:$0x3FFB];
	_ =	sdelay $0x3  }
0x92: {  	_ =	strace s17  }
0x93: {  	s2 =	sld [smem:$0x3FFC];
	_ =	sdelay $0x3  }
0x94: {  	_ =	strace s2  }
0x95: {  	s2 =	sld [smem:$0x3FFD];
	_ =	sdelay $0x3  }
0x96: {  	_ =	strace s2  }
0x97: {  	_ =	strace $0x8FFFFFFF  }
0x98: {  	s18 =	sld [smem:$0x3FDB];
	_ =	sdelay $0x1  }
0x99: {  	s19 =	simm.s32 $_scs_section_size  }
0x9a: {  	s4 =	simm.s32 $_size__tile_overlayer_lowered;
	s5 =	simm.s32 $_tile_overlayer_lowered  }
0x9b: {  	s22 =	simm.s32 $0x1BFF;
	s21 =	sshll.u32 s5, $0x1;
	s2 =	sadd.s32 s19, s18  }
0x9c: {  	s6 =	simm.s32 $0x0;
	s20 =	sshll.u32 s4, $0x1;
	s4 =	sadd.s32 s21, s2  }
0x9d: {  	[timem:s6], [sflag:s22] =	dma.local [hbm:s4], s20  }
0x9e: {  	_ =	swait.ge [sflag:s22], s20  }
0x9f: {  	s3 =	ssub.s32 $0x0, s20;
	[sflag:s22] =	ssyncset.done $0x0  }
0xa0: {  	[sflag:s22] =	ssyncadd.s32 s3;
	_ =	sdelay $0x1  }
0xa1: {  	s23 =	simm.s32 $0x1B8B  }
0xa2: {  	_ =	swait.ge [sflag:s23], $0x1  }
0xa3: {  	[sflag:s23] =	ssyncset.done $0x0  }
0xa4: {  	s25 =	simm.s32 $0x1B8E;
	s24 =	sld [smem:$0x3FFE];
	[sflag:s23] =	ssyncadd.s32 $0xFFFFFFFF  }
0xa5: {  	s26 =	simm.s32 $execute0_lowered;
	[smem:$0x3FD2] =	sst s25  }
0xa6: {  	s4 =	sshll.u32 s26, $0x1;
	_ =	strace $0x80000046;
	[dreg:$0x1] =	wrdreg $0xFFFFFFFF  }
0xa7: {  	s28 =	simm.s32 $_size_execute0_lowered;
	s2 =	sadd.s32 s2, s4;
	[dreg:$0x0] =	wrdreg $0x0  }
0xa8: {  	s4 =	sshll.u32 s28, $0x1;
	[dreg:$0x2] =	wrdreg s2  }
0xa9: {  	[dreg:$0x3] =	wrdreg s4  }
0xaa: {  	[dreg:$0x4] =	wrdreg $0xC0  }
0xab: {  	_ =	task [dreg:s6], $0x5FFFF  }
0xac: {  	[dreg:$0x1] =	wrdreg $0xFFFFFFFF  }
0xad: {  	[dreg:$0x0] =	wrdreg $0x60  }
0xae: {  	[dreg:$0x2] =	wrdreg s24  }
0xaf: {  	[dreg:$0x3] =	wrdreg $0x9  }
0xb0: {  	_ =	task.clear_ibuf [dreg:s6], $0x4FFFF;
	_ =	strace $0x90000046  }
0xb1: {  	s29 =	simm.s32 $0x9;
	_ =	strace $0x80000048  }
0xb2: {  	_ =	swait.ge [sflag:s29], $0x1  }
0xb3: {  	[sflag:s29] =	ssyncadd.s32 $0xFFFFFFFF  }
0xb4: {  	_ =	strace $0x90000048  }
0xb5: {  	_ =	sfence  }
0xb6: {  	s30 =	sld [smem:$0x0];
	_ =	sdelay $0x2  }
0xb7: {  	s31 =	sshll.u32 s1, $0xD;
	s1 =	sshrl.u32 s1, $0x2  }
0xb8: {  	s3 =	sand.u32 $0x4000, s31;
	s1 =	sadd.s32 s1, s30  }
0xb9: {  	s0 =	sor.u32 s3, s0;
	s1 =	sshll.u32 s1, $0x11  }
0xba: {  	s0 =	sor.u32 s1, s0  }
0xbb: {  	s0 =	sadd.s32 $0x8F2B, s0  }
0xbc: {  	[sflag:s0] =	ssyncadd.remote.s32 $0x1  }
0xbd: {  	_ =	sfence.sel $0xFFFF  }
0xbe: {  	[dreg:$0x0] =	wrdreg $0xFFFFFFFF;
	(pc) =	sbr.abs _section_cstart, $3  }
0xbf: {  	[dreg:$0x1] =	wrdreg $0xFFFFFFFF  }
0xc0: {  	_ =	task.clear_ibuf [dreg:s6], $0x2FFFF;
	_ =	strace $0x9FFFFFFF  }
0xc1: {  	(tm) =	ssettm $0x7FFFFFFF  }
tec
execute0_lowered:
.L_overlay_start_1:
0x0: {  	(tag) =	ssettag $0x1  }
0x1: {  	s5 =	rddreg [dreg:$0x0]  }
0x2: {  	s0 =	rddreg [dreg:$0x1]  }
0x3: {  	s2 =	simm.s32 $0x0;
	s3 =	srdreg.scid;
	s1 =	stileid.u32  }
0x4: {  	s12 =	simm.s32 $0x4200;
	s13 =	simm.s32 $0x4080;
	s14 =	simm.s32 $0x8200  }
0x5: {  	s15 =	simm.s32 $0x4100;
	s17 =	simm.s32 $0x4180;
	s18 =	simm.s32 $0x10200  }
0x6: {  	s20 =	simm.s32 $0x1;
	s21 =	simm.s32 $0x0;
	[smem:$0x7FF] =	sst s2  }
0x7: {  	s6 =	sand.u32 $0x1, s3;
	s4 =	sshll.u32 s1, $0x1;
	s3 =	sadd.s32 $0x22000, s5  }
0x8: {  	s31 =	sshll.u32 s1, $0x7;
	_ =	strace $0x80000047;
	s7 =	sor.u32 s6, s4  }
0x9: {  	s4 =	sadd.s32 $0x2000, s5;
	s9 =	ssub.s32 $0x2, s6;
	s30 =	sshll.u32 s6, $0x6  }
0xa: {  	s8 =	sshll.u32 s7, $0xD;
	s10 =	sshll.u32 s7, $0x5;
	s11 =	sshrl.u32 s9, $0x1  }
0xb: {  	s16 =	sshll.u32 s7, $0x8;
	s8 =	sadd.s32 s8, s5;
	s10 =	sadd.s32 s10, s5  }
0xc: {  	s9 =	ssub.s32 s9, s11;
	s5 =	sadd.s32 s3, s30;
	s19 =	sadd.s32 $0x100, s16  }
0xd: {  	s11 =	simm.s32 $0x80;
	v0 =	vmov s16;
	s16 =	simm.s32 $0xC200;
	s5 =	sadd.s32 s31, s5  }
0xe: {  	s6 =	sadd.s32 $0x22800, s8;
	s7 =	sadd.s32 $0x62800, s10;
	s8 =	smax.u32 s9, $0x1  }
0xf: {  	v2 =	vimm.f32 $0.0e+00;
	v3 =	vimm.f32 $1.000000000e+00;
	s9 =	simm.s32 $0x2;
	s10 =	simm.s32 $0x4000;
	v1 =	vmov s19;
	s19 =	simm.s32 $0x14200  }
.LBB2_1:
0x10: {  	[tilespmem:s2], [sflag:$0x2] =	stream.linear.gather [hbm4b:s3+s2], $0x4000, $0x38;
	[tilespmem:$0x14300] =	vst v63  }
0x11: {  	_ =	swait.ge [sflag:s9], $0x4000  }
0x12: {  	[sflag:s9] =	ssyncset.done $0x0  }
0x13: {  	[sflag:s9] =	ssyncadd.s32 $0xFFFFC000  }
0x14: {  	[tilespmem:s10], [sflag:$0x2] =	stream.linear.gather [hbm4b:s5+s2], $0x200, $0x38;
	[tilespmem:$0x14300] =	vst v63  }
0x15: {  	_ =	swait.ge [sflag:s9], $0x200  }
0x16: {  	[sflag:s9] =	ssyncset.done $0x0  }
0x17: {  	[sflag:s9] =	ssyncadd.s32 $0xFFFFFE00  }
0x18: {  	[tilespmem:$0x14200] =	vst v2  }
0x19: {  	[tilespmem:$0x14210] =	vst v2  }
0x1a: {  	[tilespmem:$0x14220] =	vst v2  }
0x1b: {  	[tilespmem:$0x14230] =	vst v2  }
0x1c: {  	[tilespmem:$0x14240] =	vst v2  }
0x1d: {  	[tilespmem:$0x14250] =	vst v2  }
0x1e: {  	[tilespmem:$0x14260] =	vst v2  }
0x1f: {  	[tilespmem:$0x14270] =	vst v2  }
0x20: {  	[tilespmem:$0x14280] =	vst v2  }
0x21: {  	[tilespmem:$0x14290] =	vst v2  }
0x22: {  	[tilespmem:$0x142A0] =	vst v2  }
0x23: {  	[tilespmem:$0x142B0] =	vst v2  }
0x24: {  	[tilespmem:$0x142C0] =	vst v2  }
0x25: {  	[tilespmem:$0x142D0] =	vst v2  }
0x26: {  	[tilespmem:$0x142E0] =	vst v2  }
0x27: {  	[tilespmem:$0x142F0] =	vst v2  }
0x28: {  	[tilespmem:s12], [sflag:$0x1] =	stream.indirect.gather [hbm4b:s4+s11], $0x80, s10, s11, $0xb8;
	[tilespmem:$0x14300] =	vst v63  }
0x29: {  	_ = 	snop  }
0x2a: {  	[tilespmem:s14], [sflag:$0x1] =	stream.indirect.gather [hbm4b:s4+s11], $0x80, s13, s11, $0xb8;
	[tilespmem:$0x14300] =	vst v63  }
0x2b: {  	_ = 	snop  }
0x2c: {  	[tilespmem:s16], [sflag:$0x1] =	stream.indirect.gather [hbm4b:s4+s11], $0x80, s15, s11, $0xb8;
	[tilespmem:$0x14300] =	vst v63  }
0x2d: {  	s22 =	simm.s32 $0x0  }
0x2e: {  	[tilespmem:s18], [sflag:$0x1] =	stream.indirect.gather [hbm4b:s4+s11], $0x80, s17, s11, $0xb8;
	[tilespmem:$0x14300] =	vst v63  }
.LBB2_2:
0x2f: {  	s23 =	sshra.s32 s22, $0x2  }
0x30: {  	v4 =	vld [tilespmem:s23+$0x0];
	_ =	sdelay $0x4  }
0x31: {  	vm0 =	vge.s32 v4, v0;
	vm1 =	vlt.s32 v4, v1;
	v5 =	vsub.s32 v4, v0  }
0x32: {  	v4 =	vand.u32 $0x7F, v4;
	vm0 =	vmand vm0, vm1;
	v5 =	vand.u32 $0xFFFFFF80, v5  }
0x33: {  	v4 =	vor.u32 v4, v5;
	_ =	sdelay $0x4  }
0x34: {  	[tilespmem:v4+s19+$0x0] =	vst.idx.add.f32.msk vm0, v3  }
0x35: {  	v4 =	vld [tilespmem:s23+$0x10];
	_ =	sdelay $0x4  }
0x36: {  	vm14 =	vge.s32 v4, v0;
	vm15 =	vlt.s32 v4, v1;
	v5 =	vsub.s32 v4, v0  }
0x37: {  	v4 =	vand.u32 $0x7F, v4;
	vm0 =	vmand vm14, vm15;
	v5 =	vand.u32 $0xFFFFFF80, v5  }
0x38: {  	v4 =	vor.u32 v4, v5;
	_ =	sdelay $0x4  }
0x39: {  	[tilespmem:v4+s19+$0x0] =	vst.idx.add.f32.msk vm0, v3  }
0x3a: {  	v4 =	vld [tilespmem:s23+$0x20];
	_ =	sdelay $0x4  }
0x3b: {  	vm4 =	vge.s32 v4, v0;
	vm5 =	vlt.s32 v4, v1;
	v5 =	vsub.s32 v4, v0  }
0x3c: {  	v4 =	vand.u32 $0x7F, v4;
	vm0 =	vmand vm4, vm5;
	v5 =	vand.u32 $0xFFFFFF80, v5  }
0x3d: {  	v4 =	vor.u32 v4, v5;
	_ =	sdelay $0x4  }
0x3e: {  	[tilespmem:v4+s19+$0x0] =	vst.idx.add.f32.msk vm0, v3  }
0x3f: {  	v4 =	vld [tilespmem:s23+$0x30];
	_ =	sdelay $0x4  }
0x40: {  	vm6 =	vge.s32 v4, v0;
	vm7 =	vlt.s32 v4, v1;
	v5 =	vsub.s32 v4, v0  }
0x41: {  	v4 =	vand.u32 $0x7F, v4;
	vm0 =	vmand vm6, vm7;
	v5 =	vand.u32 $0xFFFFFF80, v5  }
0x42: {  	v4 =	vor.u32 v4, v5;
	_ =	sdelay $0x4  }
0x43: {  	[tilespmem:v4+s19+$0x0] =	vst.idx.add.f32.msk vm0, v3  }
0x44: {  	v4 =	vld [tilespmem:s23+$0x40];
	_ =	sdelay $0x4  }
0x45: {  	vm8 =	vge.s32 v4, v0;
	vm9 =	vlt.s32 v4, v1;
	v5 =	vsub.s32 v4, v0  }
0x46: {  	v4 =	vand.u32 $0x7F, v4;
	vm0 =	vmand vm8, vm9;
	v5 =	vand.u32 $0xFFFFFF80, v5  }
0x47: {  	v4 =	vor.u32 v4, v5;
	_ =	sdelay $0x4  }
0x48: {  	[tilespmem:v4+s19+$0x0] =	vst.idx.add.f32.msk vm0, v3  }
0x49: {  	v4 =	vld [tilespmem:s23+$0x50];
	_ =	sdelay $0x4  }
0x4a: {  	vm10 =	vge.s32 v4, v0;
	vm11 =	vlt.s32 v4, v1;
	v5 =	vsub.s32 v4, v0  }
0x4b: {  	v4 =	vand.u32 $0x7F, v4;
	vm0 =	vmand vm10, vm11;
	v5 =	vand.u32 $0xFFFFFF80, v5  }
0x4c: {  	v4 =	vor.u32 v4, v5;
	_ =	sdelay $0x4  }
0x4d: {  	[tilespmem:v4+s19+$0x0] =	vst.idx.add.f32.msk vm0, v3  }
0x4e: {  	v4 =	vld [tilespmem:s23+$0x60];
	_ =	sdelay $0x4  }
0x4f: {  	vm12 =	vge.s32 v4, v0;
	vm13 =	vlt.s32 v4, v1;
	v5 =	vsub.s32 v4, v0  }
0x50: {  	v4 =	vand.u32 $0x7F, v4;
	vm0 =	vmand vm12, vm13;
	v5 =	vand.u32 $0xFFFFFF80, v5  }
0x51: {  	v4 =	vor.u32 v4, v5;
	_ =	sdelay $0x4  }
0x52: {  	[tilespmem:v4+s19+$0x0] =	vst.idx.add.f32.msk vm0, v3  }
0x53: {  	v4 =	vld [tilespmem:s23+$0x70];
	_ =	sdelay $0x4  }
0x54: {  	vm14 =	vge.s32 v4, v0;
	vm15 =	vlt.s32 v4, v1;
	v5 =	vsub.s32 v4, v0  }
0x55: {  	v4 =	vand.u32 $0x7F, v4;
	vm0 =	vmand vm14, vm15;
	v5 =	vand.u32 $0xFFFFFF80, v5  }
0x56: {  	p0 =	sne.s32 s22, $0xFE00;
	v4 =	vor.u32 v4, v5  }
.Ltmp0:
0x57: {  	_ = 	snop;
	(pc) =	sbr.rel @p0 .LBB2_2-.Ltmp0, $2  }
0x58: {  	_ =	sdelay $0x2  }
0x59: {  	s22 =	sadd.s32 $0x200, s22;
	[tilespmem:v4+s19+$0x0] =	vst.idx.add.f32.msk vm0, v3  }
0x5a: {  	_ =	swait.ge [sflag:s20], $0x4000  }
0x5b: {  	[sflag:s20] =	ssyncset.done $0x0  }
0x5c: {  	[sflag:s20] =	ssyncadd.s32 $0xFFFFC000  }
0x5d: {  	_ =	swait.ge [sflag:s20], $0x4000  }
0x5e: {  	[sflag:s20] =	ssyncset.done $0x0  }
0x5f: {  	[sflag:s20] =	ssyncadd.s32 $0xFFFFC000  }
0x60: {  	_ =	swait.ge [sflag:s20], $0x4000  }
0x61: {  	[sflag:s20] =	ssyncset.done $0x0  }
0x62: {  	[sflag:s20] =	ssyncadd.s32 $0xFFFFC000  }
0x63: {  	_ =	swait.ge [sflag:s20], $0x4000  }
0x64: {  	[sflag:s20] =	ssyncset.done $0x0  }
0x65: {  	[sflag:s20] =	ssyncadd.s32 $0xFFFFC000  }
0x66: {  	[hbm4b:s6+s2] =	stream.linear.scatter [tilespmem:s12], [sflag:$0x2], $0x10000, $0x38;
	[tilespmem:$0x14300] =	vst v63  }
0x67: {  	s21 =	sadd.s32 $0x1, s21;
	_ =	swait.ge [sflag:s9], $0x10000  }
0x68: {  	p0 =	sne.s32 s21, s8;
	[sflag:s9] =	ssyncset.done $0x0  }
.Ltmp1:
0x69: {  	[sflag:s9] =	ssyncadd.s32 $0xFFFF0000;
	(pc) =	sbr.rel @p0 .LBB2_1-.Ltmp1, $4  }
0x6a: {  	[hbm4b:s7+s2] =	stream.linear.scatter [tilespmem:s19], [sflag:$0x2], $0x100, $0x38;
	[tilespmem:$0x14300] =	vst v63  }
0x6b: {  	_ =	swait.ge [sflag:s9], $0x100  }
0x6c: {  	[sflag:s9] =	ssyncset.done $0x0  }
0x6d: {  	[sflag:s9] =	ssyncadd.s32 $0xFFFFFF00  }
0x6e: {  	_ =	sfence.sel $0x180000  }
0x6f: {  	[bflag:$0x0] =	sbarrier.arrive $0xFFFF  }
0x70: {  	p0 =	sne.s32 s1, $0x0;
	_ =	strace $0x90000047  }
0x71: {  	s0 =	sadd.s32 @!p0 $0x100000, s0;
	[bflag:$0x2] =	sbarrier.arrive $0xFFFF  }
0x72: {  	[sflag:s0] =	ssyncadd.tile.s32 @!p0 $0x1;
	_ =	shalt  }
.Lfunc_end2:
_tile_overlayer_lowered:
.L_overlay_start_2:
0x73: {  	(tag) =	ssettag $0x2  }
0x74: {  	s0 =	rddreg [dreg:$0x0];
	s2 =	stileid.u32  }
0x75: {  	s1 =	rddreg [dreg:$0x1];
	p0 =	sne.s32 s2, $0x0  }
0x76: {  	s3 =	rddreg [dreg:$0x2];
	[bflag:$0x3] =	sbarrier.arrive $0xFFFF;
	s2 =	simm.s32 @!p0 $0x1C02  }
0x77: {  	[timem:s3], [sflag:s2] =	dma.local @!p0 [hbm:s0], s1  }
0x78: {  	s0 =	simm.s32 @!p0 $0x2  }
0x79: {  	_ =	swait.ge @!p0 [sflag:s0], s1  }
0x7a: {  	s1 =	ssub.s32 @!p0 $0x0, s1;
	[sflag:s0] =	ssyncset.done @!p0 $0x0  }
0x7b: {  	[sflag:s0] =	ssyncadd.s32 @!p0 s1  }
0x7c: {  	[bflag:$0x3] =	sbarrier.arrive $0xFFFF  }
0x7d: {  	_ =	shalt  }

</sc_bundles>
